<compile_context>
chip_gen: v7x
topology: tpu7x:2x2x1
jax: 0.10.2.dev20260603
libtpu: 0.0.44.dev20260713+nightly
codegen_flags: <defaults>
</compile_context>

<pallas_src>
import functools

import jax
import jax.numpy as jnp
from jax import lax
from jax.experimental import pallas as pl
from jax.experimental.pallas import tpu as pltpu
from jax.experimental.pallas import tpu_sc as plsc

ROW_BLOCK = 512


def _dist_block(z, cbt, c2):
    xc = lax.dot_general(z, cbt, (((1,), (0,)), ((), ())),
                         preferred_element_type=jnp.float32)
    x2 = jnp.sum(z * z, axis=1, keepdims=True)
    return (x2 + c2) - 2.0 * xc


def _tc_body(nblocks, k, z_ref, cbt_ref, cw_ref, soft_ref, quant_ref,
             nw_ref, deadm_ref, hist_ref, c2_ref):
    i = pl.program_id(0)
    cbt = cbt_ref[...]

    @pl.when(i == 0)
    def _():
        c2_ref[...] = jnp.sum(cbt * cbt, axis=0, keepdims=True)

    dist = _dist_block(z_ref[...], cbt, c2_ref[...])
    rowmin = jnp.min(dist, axis=1, keepdims=True)
    t = -100.0 * dist
    m = -100.0 * rowmin
    e = jnp.exp(t - m)
    soft_ref[...] = e * (1.0 / jnp.sum(e, axis=1, keepdims=True))

    mask = dist == rowmin
    iota = lax.broadcasted_iota(jnp.int32, dist.shape, 1)
    idxv = jnp.min(jnp.where(mask, iota, k), axis=1, keepdims=True)
    onehot = (idxv == iota).astype(jnp.float32)
    quant_ref[...] = lax.dot_general(
        onehot, cbt, (((1,), (1,)), ((), ())),
        precision=None,
        preferred_element_type=jnp.float32)

    cnt = jnp.sum(onehot, axis=0, keepdims=True)

    @pl.when(i == 0)
    def _():
        hist_ref[...] = cnt

    @pl.when(i > 0)
    def _():
        hist_ref[...] += cnt

    @pl.when(i == nblocks - 1)
    def _():
        nw = cw_ref[...] + hist_ref[...]
        nw_ref[...] = nw
        total = jnp.sum(nw)
        deadf = jnp.where(nw < total / (100.0 * k), 1.0, 0.0)
        deadm_ref[...] = jnp.broadcast_to(deadf.reshape(k, 1),
                                          deadm_ref.shape)


def _tc_call(z, cbt, cw, n, d, k):
    nblocks = n // ROW_BLOCK
    return pl.pallas_call(
        functools.partial(_tc_body, nblocks, k),
        grid=(nblocks,),
        in_specs=[
            pl.BlockSpec((ROW_BLOCK, d), lambda i: (i, 0)),
            pl.BlockSpec((d, k), lambda i: (0, 0)),
            pl.BlockSpec((1, k), lambda i: (0, 0)),
        ],
        out_specs=[
            pl.BlockSpec((ROW_BLOCK, k), lambda i: (i, 0)),
            pl.BlockSpec((ROW_BLOCK, d), lambda i: (i, 0)),
            pl.BlockSpec((1, k), lambda i: (0, 0)),
            pl.BlockSpec((k, _L), lambda i: (0, 0)),
        ],
        out_shape=[
            jax.ShapeDtypeStruct((n, k), jnp.float32),
            jax.ShapeDtypeStruct((n, d), jnp.float32),
            jax.ShapeDtypeStruct((1, k), jnp.float32),
            jax.ShapeDtypeStruct((k, _L), jnp.float32),
        ],
        scratch_shapes=[pltpu.VMEM((1, k), jnp.float32),
                        pltpu.VMEM((1, k), jnp.float32)],
    )(z, cbt, cw)


_NC, _NS, _L = 2, 16, 16
_NW = _NC * _NS


def _sc_body(n, k, d, cb_hbm, z_hbm, ridx_hbm, deadm_hbm, ul_hbm,
             ridx_v, rl_v, cbl_v, dm_v, sem_r):
    kpw = k // _NW
    wid = lax.axis_index("s") * _NC + lax.axis_index("c")
    kbase = wid * kpw

    pltpu.sync_copy(ridx_hbm.at[pl.ds(kbase, kpw)], ridx_v)
    rl_cp = pltpu.async_copy(z_hbm.at[ridx_v], rl_v, sem_r)
    pltpu.sync_copy(cb_hbm.at[pl.ds(kbase, kpw)], cbl_v)
    pltpu.sync_copy(deadm_hbm.at[pl.ds(kbase, kpw)], dm_v)
    rl_cp.wait()

    def row_body(r, carry):
        dm16 = dm_v[r, pl.ds(0, _L)]
        for cc in range(d // _L):
            sl = pl.ds(cc * _L, _L)
            rl_v[r, sl] = (rl_v[r, sl] - cbl_v[r, sl]) * dm16
        return carry

    lax.fori_loop(0, kpw, row_body, 0)
    pltpu.sync_copy(rl_v, ul_hbm.at[pl.ds(kbase, kpw)])


def _sc_call(cb, z, ridx, deadm, n, d, k):
    kpw = k // _NW
    mesh = plsc.VectorSubcoreMesh(core_axis_name="c", subcore_axis_name="s")
    return pl.kernel(
        functools.partial(_sc_body, n, k, d),
        out_type=jax.ShapeDtypeStruct((k, d), jnp.float32),
        mesh=mesh,
        scratch_types=[
            pltpu.VMEM((kpw,), jnp.int32),
            pltpu.VMEM((kpw, d), jnp.float32),
            pltpu.VMEM((kpw, d), jnp.float32),
            pltpu.VMEM((kpw, _L), jnp.float32),
            pltpu.SemaphoreType.DMA,
        ],
    )(cb, z, ridx, deadm)


def kernel(continuous_latent, codebook, codebook_weights, rand_idx):
    b, a, d = continuous_latent.shape
    k = codebook.shape[0]
    n = b * a
    z = continuous_latent.reshape(n, d)
    cbt = codebook.T
    cw = codebook_weights.reshape(1, k)

    soft, quant, nw2, deadm = _tc_call(z, cbt, cw, n, d, k)
    useless = _sc_call(codebook, z, rand_idx, deadm, n, d, k)
    return (quant.reshape(b, a, d), soft.reshape(b, a, k),
            nw2.reshape(k), useless)

# --- scband reference (transcript-rebuilt; emitter-appended) ---
"""Pipeline reference for scband-quantized-latent-distribution-13348758356123 (READ-ONLY COPY).

The authoritative reference and input builder live on the scoring server;
editing this copy changes nothing except your own understanding.
"""

import jax, jax.numpy as jnp
import numpy as np

B, A, D, K = 16, 1024, 256, 1024


def setup_inputs(seed: int = 0) -> dict:
    key = jax.random.key(seed)
    k1, k2, k3 = jax.random.split(key, 3)
    return {
        "continuous_latent": jax.random.normal(k1, (B, A, D), dtype=jnp.float32),
        "codebook": jax.random.normal(k2, (K, D), dtype=jnp.float32),
        "codebook_weights": jnp.ones((K,), dtype=jnp.float32),
        "rand_idx": jax.random.randint(k3, (K,), 0, B * A, dtype=jnp.int32),
    }


def reference(continuous_latent, codebook, codebook_weights, rand_idx):
    b, a, d = continuous_latent.shape
    k = codebook.shape[0]
    # distances_to_quantized: ||c - z||^2 expanded as |z|^2 + |c|^2 - 2 z.c
    # (mathematically identical to (codebook[None,None] - z[...,None,:]).square().sum(-1))
    x2 = jnp.sum(jnp.square(continuous_latent), axis=-1, keepdims=True)  # (b,a,1)
    c2 = jnp.sum(jnp.square(codebook), axis=-1)  # (k,)
    xc = jnp.einsum("bad,kd->bak", continuous_latent, codebook)  # (b,a,k)
    distances = x2 + c2[None, None, :] - 2.0 * xc  # (b,a,k)
    soft_one_hot = jax.nn.softmax(-100.0 * distances, axis=-1)
    args_selected = jnp.argmin(distances, axis=-1)  # (b,a)
    quantized = codebook[args_selected, :]  # gather (b,a,d)
    # index_add_one_weights(args_selected) -> scatter-add of ones into usage weights
    flat_idx = args_selected.reshape(-1)
    new_weights = codebook_weights.at[flat_idx].add(1.0)
    # random latents used to reset dead codebook entries
    flat_latent = continuous_latent.reshape(b * a, d)
    random_latents = flat_latent[rand_idx, :]  # (k,d)
    total_samples = jnp.sum(new_weights)
    dead = (new_weights < total_samples / (100.0 * k))[:, None]
    uselessness = jnp.where(dead, jax.lax.stop_gradient(random_latents) - codebook, jnp.zeros_like(codebook))
    # straight-through quantization (standard VQ estimator, matches detach pattern in source)
    quantized_st = continuous_latent + jax.lax.stop_gradient(quantized - continuous_latent)
    return (quantized_st, soft_one_hot, new_weights, uselessness)

if __name__ == "__main__":
    import jax
    _d = setup_inputs()
    print(jax.jit(kernel)(*tuple(_d.values())))

</pallas_src>

<mosaic_0001>
#map = affine_map<(d0, d1) -> (0, 0)>
#map1 = affine_map<(d0, d1) -> (0)>
module attributes {stable_mosaic.version = 14 : i64} {
  func.func @_sc_body(%arg0: i32, %arg1: i32, %arg2: memref<1024x256xf32, #tpu.memory_space<hbm>>, %arg3: memref<16384x256xf32, #tpu.memory_space<hbm>>, %arg4: memref<1024xi32, #tpu.memory_space<hbm>>, %arg5: memref<1024x16xf32, #tpu.memory_space<hbm>>, %arg6: memref<1024x256xf32, #tpu.memory_space<hbm>>, %arg7: memref<32xi32, #tpu.memory_space<vmem>>, %arg8: memref<32x256xf32, #tpu.memory_space<vmem>>, %arg9: memref<32x256xf32, #tpu.memory_space<vmem>>, %arg10: memref<32x16xf32, #tpu.memory_space<vmem>>, %arg11: memref<!tpu.dma_semaphore, #tpu.memory_space<semaphore_mem>>) attributes {dimension_semantics = [#tpu.dimension_semantics<core_parallel>, #tpu.dimension_semantics<subcore_parallel>], iteration_bounds = array<i64: 2, 16>, scalar_prefetch = 0 : i64, scratch_operands = 5 : i64, tpu.core_type = #tpu.core_type<sc_vector_subcore>, window_params = [{transform_indices = #map}, {transform_indices = #map}, {transform_indices = #map1}, {transform_indices = #map}, {transform_indices = #map}]} {
    %mul3A = arith.constant 2 : i32
    %mul3A_0 = arith.muli %arg1, %mul3A : i32
    %add3A = arith.addi %mul3A_0, %arg0 : i32
    %mul3A_1 = arith.constant 32 : i32
    %mul3A_2 = arith.muli %add3A, %mul3A_1 : i32
    "tpu.region"() ({
      %run_scoped3A = tpu.sem_alloc : memref<!tpu.dma_semaphore, #tpu.memory_space<semaphore_mem>>
      %dma_start3A_12 = tpu.memref_slice %arg4[%mul3A_2] : memref<1024xi32, #tpu.memory_space<hbm>> -> memref<32xi32, #tpu.memory_space<hbm>>
      %dma_start3A_13 = tpu.memref_slice %arg4[%mul3A_2] : memref<1024xi32, #tpu.memory_space<hbm>> -> memref<32xi32, #tpu.memory_space<hbm>>
      tpu.enqueue_dma source(%dma_start3A_13 : memref<32xi32, #tpu.memory_space<hbm>>) target(%arg7 : memref<32xi32, #tpu.memory_space<vmem>>) target_semaphore(%run_scoped3A : memref<!tpu.dma_semaphore, #tpu.memory_space<semaphore_mem>>)
      %dma_wait3A_14 = tpu.memref_slice %arg4[%mul3A_2] : memref<1024xi32, #tpu.memory_space<hbm>> -> memref<32xi32, #tpu.memory_space<hbm>>
      %dma_wait3A_15 = tpu.memref_slice %arg4[%mul3A_2] : memref<1024xi32, #tpu.memory_space<hbm>> -> memref<32xi32, #tpu.memory_space<hbm>>
      tpu.wait_dma2 semaphore(%run_scoped3A : memref<!tpu.dma_semaphore, #tpu.memory_space<semaphore_mem>>) src(%dma_wait3A_15 : memref<32xi32, #tpu.memory_space<hbm>>) dst(%arg7 : memref<32xi32, #tpu.memory_space<vmem>>)
      tpu.yield
    }) : () -> ()
    %dma_start3A = arith.constant 0 : i32
    %dma_start3A_3 = arith.constant 0 : i32
    %dma_start3A_4 = tpu.memref_slice %arg3[%dma_start3A, %dma_start3A_3] : memref<16384x256xf32, #tpu.memory_space<hbm>> -> memref<16384x256xf32, #tpu.memory_space<hbm>>
    tpu.enqueue_indirect_dma source(%dma_start3A_4 : memref<16384x256xf32, #tpu.memory_space<hbm>>) target(%arg8 : memref<32x256xf32, #tpu.memory_space<vmem>>) offsets(%arg7 : memref<32xi32, #tpu.memory_space<vmem>>) semaphore(%arg11 : memref<!tpu.dma_semaphore, #tpu.memory_space<semaphore_mem>>)
    "tpu.region"() ({
      %run_scoped3A = tpu.sem_alloc : memref<!tpu.dma_semaphore, #tpu.memory_space<semaphore_mem>>
      %dma_start3A_12 = arith.constant 0 : i32
      %dma_start3A_13 = tpu.memref_slice %arg2[%mul3A_2, %dma_start3A_12] : memref<1024x256xf32, #tpu.memory_space<hbm>> -> memref<32x256xf32, #tpu.memory_space<hbm>>
      %dma_start3A_14 = arith.constant 0 : i32
      %dma_start3A_15 = tpu.memref_slice %arg2[%mul3A_2, %dma_start3A_14] : memref<1024x256xf32, #tpu.memory_space<hbm>> -> memref<32x256xf32, #tpu.memory_space<hbm>>
      tpu.enqueue_dma source(%dma_start3A_15 : memref<32x256xf32, #tpu.memory_space<hbm>>) target(%arg9 : memref<32x256xf32, #tpu.memory_space<vmem>>) target_semaphore(%run_scoped3A : memref<!tpu.dma_semaphore, #tpu.memory_space<semaphore_mem>>)
      %dma_wait3A_16 = arith.constant 0 : i32
      %dma_wait3A_17 = tpu.memref_slice %arg2[%mul3A_2, %dma_wait3A_16] : memref<1024x256xf32, #tpu.memory_space<hbm>> -> memref<32x256xf32, #tpu.memory_space<hbm>>
      %dma_wait3A_18 = arith.constant 0 : i32
      %dma_wait3A_19 = tpu.memref_slice %arg2[%mul3A_2, %dma_wait3A_18] : memref<1024x256xf32, #tpu.memory_space<hbm>> -> memref<32x256xf32, #tpu.memory_space<hbm>>
      tpu.wait_dma2 semaphore(%run_scoped3A : memref<!tpu.dma_semaphore, #tpu.memory_space<semaphore_mem>>) src(%dma_wait3A_19 : memref<32x256xf32, #tpu.memory_space<hbm>>) dst(%arg9 : memref<32x256xf32, #tpu.memory_space<vmem>>)
      tpu.yield
    }) : () -> ()
    "tpu.region"() ({
      %run_scoped3A = tpu.sem_alloc : memref<!tpu.dma_semaphore, #tpu.memory_space<semaphore_mem>>
      %dma_start3A_12 = arith.constant 0 : i32
      %dma_start3A_13 = tpu.memref_slice %arg5[%mul3A_2, %dma_start3A_12] : memref<1024x16xf32, #tpu.memory_space<hbm>> -> memref<32x16xf32, #tpu.memory_space<hbm>>
      %dma_start3A_14 = arith.constant 0 : i32
      %dma_start3A_15 = tpu.memref_slice %arg5[%mul3A_2, %dma_start3A_14] : memref<1024x16xf32, #tpu.memory_space<hbm>> -> memref<32x16xf32, #tpu.memory_space<hbm>>
      tpu.enqueue_dma source(%dma_start3A_15 : memref<32x16xf32, #tpu.memory_space<hbm>>) target(%arg10 : memref<32x16xf32, #tpu.memory_space<vmem>>) target_semaphore(%run_scoped3A : memref<!tpu.dma_semaphore, #tpu.memory_space<semaphore_mem>>)
      %dma_wait3A_16 = arith.constant 0 : i32
      %dma_wait3A_17 = tpu.memref_slice %arg5[%mul3A_2, %dma_wait3A_16] : memref<1024x16xf32, #tpu.memory_space<hbm>> -> memref<32x16xf32, #tpu.memory_space<hbm>>
      %dma_wait3A_18 = arith.constant 0 : i32
      %dma_wait3A_19 = tpu.memref_slice %arg5[%mul3A_2, %dma_wait3A_18] : memref<1024x16xf32, #tpu.memory_space<hbm>> -> memref<32x16xf32, #tpu.memory_space<hbm>>
      tpu.wait_dma2 semaphore(%run_scoped3A : memref<!tpu.dma_semaphore, #tpu.memory_space<semaphore_mem>>) src(%dma_wait3A_19 : memref<32x16xf32, #tpu.memory_space<hbm>>) dst(%arg10 : memref<32x16xf32, #tpu.memory_space<vmem>>)
      tpu.yield
    }) : () -> ()
    %dma_wait3A = arith.constant 0 : i32
    %dma_wait3A_5 = arith.constant 0 : i32
    %dma_wait3A_6 = tpu.memref_slice %arg3[%dma_wait3A, %dma_wait3A_5] : memref<16384x256xf32, #tpu.memory_space<hbm>> -> memref<16384x256xf32, #tpu.memory_space<hbm>>
    tpu.wait_indirect_dma semaphore(%arg11 : memref<!tpu.dma_semaphore, #tpu.memory_space<semaphore_mem>>) src(%dma_wait3A_6 : memref<16384x256xf32, #tpu.memory_space<hbm>>) dst(%arg8 : memref<32x256xf32, #tpu.memory_space<vmem>>)
    %scan3A = arith.constant 0 : i32
    %scan3A_7 = arith.constant 0 : i32
    %scan3A_8 = arith.constant 32 : i32
    %scan3A_9 = arith.addi %scan3A_7, %scan3A_8 : i32
    %scan3A_10 = arith.constant 1 : i32
    scf.for %scan3A_12 = %scan3A_7 to %scan3A_9 step %scan3A_10  : i32 {
      %get3A = arith.index_cast %scan3A_12 : i32 to index
      %get3A_13 = arith.constant 0 : index
      %get3A_14 = tpu.vector_load %arg10[%get3A, %get3A_13] {strides = array<i32>} : memref<32x16xf32, #tpu.memory_space<vmem>>, vector<1x16xf32>,
      %get3A_15 = vector.shape_cast %get3A_14 : vector<1x16xf32> to vector<16xf32>
      %get3A_16 = arith.index_cast %scan3A_12 : i32 to index
      %get3A_17 = arith.constant 0 : index
      %get3A_18 = tpu.vector_load %arg8[%get3A_16, %get3A_17] {strides = array<i32>} : memref<32x256xf32, #tpu.memory_space<vmem>>, vector<1x16xf32>,
      %get3A_19 = vector.shape_cast %get3A_18 : vector<1x16xf32> to vector<16xf32>
      %get3A_20 = arith.index_cast %scan3A_12 : i32 to index
      %get3A_21 = arith.constant 0 : index
      %get3A_22 = tpu.vector_load %arg9[%get3A_20, %get3A_21] {strides = array<i32>} : memref<32x256xf32, #tpu.memory_space<vmem>>, vector<1x16xf32>,
      %get3A_23 = vector.shape_cast %get3A_22 : vector<1x16xf32> to vector<16xf32>
      %sub3A = arith.subf %get3A_19, %get3A_23 : vector<16xf32>
      %mul3A_24 = arith.mulf %sub3A, %get3A_15 : vector<16xf32>
      %swap3A = arith.index_cast %scan3A_12 : i32 to index
      %swap3A_25 = arith.constant 0 : index
      %swap3A_26 = tpu.vector_load %arg8[%swap3A, %swap3A_25] {strides = array<i32>} : memref<32x256xf32, #tpu.memory_space<vmem>>, vector<1x16xf32>,
      %swap3A_27 = vector.shape_cast %swap3A_26 : vector<1x16xf32> to vector<16xf32>
      %swap3A_28 = vector.shape_cast %mul3A_24 : vector<16xf32> to vector<1x16xf32>
      tpu.vector_store %arg8[%swap3A, %swap3A_25], %swap3A_28 {strides = array<i32>} : memref<32x256xf32, #tpu.memory_space<vmem>>, vector<1x16xf32>,
      %get3A_29 = arith.index_cast %scan3A_12 : i32 to index
      %get3A_30 = arith.constant 16 : index
      %get3A_31 = tpu.vector_load %arg8[%get3A_29, %get3A_30] {strides = array<i32>} : memref<32x256xf32, #tpu.memory_space<vmem>>, vector<1x16xf32>,
      %get3A_32 = vector.shape_cast %get3A_31 : vector<1x16xf32> to vector<16xf32>
      %get3A_33 = arith.index_cast %scan3A_12 : i32 to index
      %get3A_34 = arith.constant 16 : index
      %get3A_35 = tpu.vector_load %arg9[%get3A_33, %get3A_34] {strides = array<i32>} : memref<32x256xf32, #tpu.memory_space<vmem>>, vector<1x16xf32>,
      %get3A_36 = vector.shape_cast %get3A_35 : vector<1x16xf32> to vector<16xf32>
      %sub3A_37 = arith.subf %get3A_32, %get3A_36 : vector<16xf32>
      %mul3A_38 = arith.mulf %sub3A_37, %get3A_15 : vector<16xf32>
      %swap3A_39 = arith.index_cast %scan3A_12 : i32 to index
      %swap3A_40 = arith.constant 16 : index
      %swap3A_41 = tpu.vector_load %arg8[%swap3A_39, %swap3A_40] {strides = array<i32>} : memref<32x256xf32, #tpu.memory_space<vmem>>, vector<1x16xf32>,
      %swap3A_42 = vector.shape_cast %swap3A_41 : vector<1x16xf32> to vector<16xf32>
      %swap3A_43 = vector.shape_cast %mul3A_38 : vector<16xf32> to vector<1x16xf32>
      tpu.vector_store %arg8[%swap3A_39, %swap3A_40], %swap3A_43 {strides = array<i32>} : memref<32x256xf32, #tpu.memory_space<vmem>>, vector<1x16xf32>,
      %get3A_44 = arith.index_cast %scan3A_12 : i32 to index
      %get3A_45 = arith.constant 32 : index
      %get3A_46 = tpu.vector_load %arg8[%get3A_44, %get3A_45] {strides = array<i32>} : memref<32x256xf32, #tpu.memory_space<vmem>>, vector<1x16xf32>,
      %get3A_47 = vector.shape_cast %get3A_46 : vector<1x16xf32> to vector<16xf32>
      %get3A_48 = arith.index_cast %scan3A_12 : i32 to index
      %get3A_49 = arith.constant 32 : index
      %get3A_50 = tpu.vector_load %arg9[%get3A_48, %get3A_49] {strides = array<i32>} : memref<32x256xf32, #tpu.memory_space<vmem>>, vector<1x16xf32>,
      %get3A_51 = vector.shape_cast %get3A_50 : vector<1x16xf32> to vector<16xf32>
      %sub3A_52 = arith.subf %get3A_47, %get3A_51 : vector<16xf32>
      %mul3A_53 = arith.mulf %sub3A_52, %get3A_15 : vector<16xf32>
      %swap3A_54 = arith.index_cast %scan3A_12 : i32 to index
      %swap3A_55 = arith.constant 32 : index
      %swap3A_56 = tpu.vector_load %arg8[%swap3A_54, %swap3A_55] {strides = array<i32>} : memref<32x256xf32, #tpu.memory_space<vmem>>, vector<1x16xf32>,
      %swap3A_57 = vector.shape_cast %swap3A_56 : vector<1x16xf32> to vector<16xf32>
      %swap3A_58 = vector.shape_cast %mul3A_53 : vector<16xf32> to vector<1x16xf32>
      tpu.vector_store %arg8[%swap3A_54, %swap3A_55], %swap3A_58 {strides = array<i32>} : memref<32x256xf32, #tpu.memory_space<vmem>>, vector<1x16xf32>,
      %get3A_59 = arith.index_cast %scan3A_12 : i32 to index
      %get3A_60 = arith.constant 48 : index
      %get3A_61 = tpu.vector_load %arg8[%get3A_59, %get3A_60] {strides = array<i32>} : memref<32x256xf32, #tpu.memory_space<vmem>>, vector<1x16xf32>,
      %get3A_62 = vector.shape_cast %get3A_61 : vector<1x16xf32> to vector<16xf32>
      %get3A_63 = arith.index_cast %scan3A_12 : i32 to index
      %get3A_64 = arith.constant 48 : index
      %get3A_65 = tpu.vector_load %arg9[%get3A_63, %get3A_64] {strides = array<i32>} : memref<32x256xf32, #tpu.memory_space<vmem>>, vector<1x16xf32>,
      %get3A_66 = vector.shape_cast %get3A_65 : vector<1x16xf32> to vector<16xf32>
      %sub3A_67 = arith.subf %get3A_62, %get3A_66 : vector<16xf32>
      %mul3A_68 = arith.mulf %sub3A_67, %get3A_15 : vector<16xf32>
      %swap3A_69 = arith.index_cast %scan3A_12 : i32 to index
      %swap3A_70 = arith.constant 48 : index
      %swap3A_71 = tpu.vector_load %arg8[%swap3A_69, %swap3A_70] {strides = array<i32>} : memref<32x256xf32, #tpu.memory_space<vmem>>, vector<1x16xf32>,
      %swap3A_72 = vector.shape_cast %swap3A_71 : vector<1x16xf32> to vector<16xf32>
      %swap3A_73 = vector.shape_cast %mul3A_68 : vector<16xf32> to vector<1x16xf32>
      tpu.vector_store %arg8[%swap3A_69, %swap3A_70], %swap3A_73 {strides = array<i32>} : memref<32x256xf32, #tpu.memory_space<vmem>>, vector<1x16xf32>,
      %get3A_74 = arith.index_cast %scan3A_12 : i32 to index
      %get3A_75 = arith.constant 64 : index
      %get3A_76 = tpu.vector_load %arg8[%get3A_74, %get3A_75] {strides = array<i32>} : memref<32x256xf32, #tpu.memory_space<vmem>>, vector<1x16xf32>,
      %get3A_77 = vector.shape_cast %get3A_76 : vector<1x16xf32> to vector<16xf32>
      %get3A_78 = arith.index_cast %scan3A_12 : i32 to index
      %get3A_79 = arith.constant 64 : index
      %get3A_80 = tpu.vector_load %arg9[%get3A_78, %get3A_79] {strides = array<i32>} : memref<32x256xf32, #tpu.memory_space<vmem>>, vector<1x16xf32>,
      %get3A_81 = vector.shape_cast %get3A_80 : vector<1x16xf32> to vector<16xf32>
      %sub3A_82 = arith.subf %get3A_77, %get3A_81 : vector<16xf32>
      %mul3A_83 = arith.mulf %sub3A_82, %get3A_15 : vector<16xf32>
      %swap3A_84 = arith.index_cast %scan3A_12 : i32 to index
      %swap3A_85 = arith.constant 64 : index
      %swap3A_86 = tpu.vector_load %arg8[%swap3A_84, %swap3A_85] {strides = array<i32>} : memref<32x256xf32, #tpu.memory_space<vmem>>, vector<1x16xf32>,
      %swap3A_87 = vector.shape_cast %swap3A_86 : vector<1x16xf32> to vector<16xf32>
      %swap3A_88 = vector.shape_cast %mul3A_83 : vector<16xf32> to vector<1x16xf32>
      tpu.vector_store %arg8[%swap3A_84, %swap3A_85], %swap3A_88 {strides = array<i32>} : memref<32x256xf32, #tpu.memory_space<vmem>>, vector<1x16xf32>,
      %get3A_89 = arith.index_cast %scan3A_12 : i32 to index
      %get3A_90 = arith.constant 80 : index
      %get3A_91 = tpu.vector_load %arg8[%get3A_89, %get3A_90] {strides = array<i32>} : memref<32x256xf32, #tpu.memory_space<vmem>>, vector<1x16xf32>,
      %get3A_92 = vector.shape_cast %get3A_91 : vector<1x16xf32> to vector<16xf32>
      %get3A_93 = arith.index_cast %scan3A_12 : i32 to index
      %get3A_94 = arith.constant 80 : index
      %get3A_95 = tpu.vector_load %arg9[%get3A_93, %get3A_94] {strides = array<i32>} : memref<32x256xf32, #tpu.memory_space<vmem>>, vector<1x16xf32>,
      %get3A_96 = vector.shape_cast %get3A_95 : vector<1x16xf32> to vector<16xf32>
      %sub3A_97 = arith.subf %get3A_92, %get3A_96 : vector<16xf32>
      %mul3A_98 = arith.mulf %sub3A_97, %get3A_15 : vector<16xf32>
      %swap3A_99 = arith.index_cast %scan3A_12 : i32 to index
      %swap3A_100 = arith.constant 80 : index
      %swap3A_101 = tpu.vector_load %arg8[%swap3A_99, %swap3A_100] {strides = array<i32>} : memref<32x256xf32, #tpu.memory_space<vmem>>, vector<1x16xf32>,
      %swap3A_102 = vector.shape_cast %swap3A_101 : vector<1x16xf32> to vector<16xf32>
      %swap3A_103 = vector.shape_cast %mul3A_98 : vector<16xf32> to vector<1x16xf32>
      tpu.vector_store %arg8[%swap3A_99, %swap3A_100], %swap3A_103 {strides = array<i32>} : memref<32x256xf32, #tpu.memory_space<vmem>>, vector<1x16xf32>,
      %get3A_104 = arith.index_cast %scan3A_12 : i32 to index
      %get3A_105 = arith.constant 96 : index
      %get3A_106 = tpu.vector_load %arg8[%get3A_104, %get3A_105] {strides = array<i32>} : memref<32x256xf32, #tpu.memory_space<vmem>>, vector<1x16xf32>,
      %get3A_107 = vector.shape_cast %get3A_106 : vector<1x16xf32> to vector<16xf32>
      %get3A_108 = arith.index_cast %scan3A_12 : i32 to index
      %get3A_109 = arith.constant 96 : index
      %get3A_110 = tpu.vector_load %arg9[%get3A_108, %get3A_109] {strides = array<i32>} : memref<32x256xf32, #tpu.memory_space<vmem>>, vector<1x16xf32>,
      %get3A_111 = vector.shape_cast %get3A_110 : vector<1x16xf32> to vector<16xf32>
      %sub3A_112 = arith.subf %get3A_107, %get3A_111 : vector<16xf32>
      %mul3A_113 = arith.mulf %sub3A_112, %get3A_15 : vector<16xf32>
      %swap3A_114 = arith.index_cast %scan3A_12 : i32 to index
      %swap3A_115 = arith.constant 96 : index
      %swap3A_116 = tpu.vector_load %arg8[%swap3A_114, %swap3A_115] {strides = array<i32>} : memref<32x256xf32, #tpu.memory_space<vmem>>, vector<1x16xf32>,
      %swap3A_117 = vector.shape_cast %swap3A_116 : vector<1x16xf32> to vector<16xf32>
      %swap3A_118 = vector.shape_cast %mul3A_113 : vector<16xf32> to vector<1x16xf32>
      tpu.vector_store %arg8[%swap3A_114, %swap3A_115], %swap3A_118 {strides = array<i32>} : memref<32x256xf32, #tpu.memory_space<vmem>>, vector<1x16xf32>,
      %get3A_119 = arith.index_cast %scan3A_12 : i32 to index
      %get3A_120 = arith.constant 112 : index
      %get3A_121 = tpu.vector_load %arg8[%get3A_119, %get3A_120] {strides = array<i32>} : memref<32x256xf32, #tpu.memory_space<vmem>>, vector<1x16xf32>,
      %get3A_122 = vector.shape_cast %get3A_121 : vector<1x16xf32> to vector<16xf32>
      %get3A_123 = arith.index_cast %scan3A_12 : i32 to index
      %get3A_124 = arith.constant 112 : index
      %get3A_125 = tpu.vector_load %arg9[%get3A_123, %get3A_124] {strides = array<i32>} : memref<32x256xf32, #tpu.memory_space<vmem>>, vector<1x16xf32>,
      %get3A_126 = vector.shape_cast %get3A_125 : vector<1x16xf32> to vector<16xf32>
      %sub3A_127 = arith.subf %get3A_122, %get3A_126 : vector<16xf32>
      %mul3A_128 = arith.mulf %sub3A_127, %get3A_15 : vector<16xf32>
      %swap3A_129 = arith.index_cast %scan3A_12 : i32 to index
      %swap3A_130 = arith.constant 112 : index
      %swap3A_131 = tpu.vector_load %arg8[%swap3A_129, %swap3A_130] {strides = array<i32>} : memref<32x256xf32, #tpu.memory_space<vmem>>, vector<1x16xf32>,
      %swap3A_132 = vector.shape_cast %swap3A_131 : vector<1x16xf32> to vector<16xf32>
      %swap3A_133 = vector.shape_cast %mul3A_128 : vector<16xf32> to vector<1x16xf32>
      tpu.vector_store %arg8[%swap3A_129, %swap3A_130], %swap3A_133 {strides = array<i32>} : memref<32x256xf32, #tpu.memory_space<vmem>>, vector<1x16xf32>,
      %get3A_134 = arith.index_cast %scan3A_12 : i32 to index
      %get3A_135 = arith.constant 128 : index
      %get3A_136 = tpu.vector_load %arg8[%get3A_134, %get3A_135] {strides = array<i32>} : memref<32x256xf32, #tpu.memory_space<vmem>>, vector<1x16xf32>,
      %get3A_137 = vector.shape_cast %get3A_136 : vector<1x16xf32> to vector<16xf32>
      %get3A_138 = arith.index_cast %scan3A_12 : i32 to index
      %get3A_139 = arith.constant 128 : index
      %get3A_140 = tpu.vector_load %arg9[%get3A_138, %get3A_139] {strides = array<i32>} : memref<32x256xf32, #tpu.memory_space<vmem>>, vector<1x16xf32>,
      %get3A_141 = vector.shape_cast %get3A_140 : vector<1x16xf32> to vector<16xf32>
      %sub3A_142 = arith.subf %get3A_137, %get3A_141 : vector<16xf32>
      %mul3A_143 = arith.mulf %sub3A_142, %get3A_15 : vector<16xf32>
      %swap3A_144 = arith.index_cast %scan3A_12 : i32 to index
      %swap3A_145 = arith.constant 128 : index
      %swap3A_146 = tpu.vector_load %arg8[%swap3A_144, %swap3A_145] {strides = array<i32>} : memref<32x256xf32, #tpu.memory_space<vmem>>, vector<1x16xf32>,
      %swap3A_147 = vector.shape_cast %swap3A_146 : vector<1x16xf32> to vector<16xf32>
      %swap3A_148 = vector.shape_cast %mul3A_143 : vector<16xf32> to vector<1x16xf32>
      tpu.vector_store %arg8[%swap3A_144, %swap3A_145], %swap3A_148 {strides = array<i32>} : memref<32x256xf32, #tpu.memory_space<vmem>>, vector<1x16xf32>,
      %get3A_149 = arith.index_cast %scan3A_12 : i32 to index
      %get3A_150 = arith.constant 144 : index
      %get3A_151 = tpu.vector_load %arg8[%get3A_149, %get3A_150] {strides = array<i32>} : memref<32x256xf32, #tpu.memory_space<vmem>>, vector<1x16xf32>,
      %get3A_152 = vector.shape_cast %get3A_151 : vector<1x16xf32> to vector<16xf32>
      %get3A_153 = arith.index_cast %scan3A_12 : i32 to index
      %get3A_154 = arith.constant 144 : index
      %get3A_155 = tpu.vector_load %arg9[%get3A_153, %get3A_154] {strides = array<i32>} : memref<32x256xf32, #tpu.memory_space<vmem>>, vector<1x16xf32>,
      %get3A_156 = vector.shape_cast %get3A_155 : vector<1x16xf32> to vector<16xf32>
      %sub3A_157 = arith.subf %get3A_152, %get3A_156 : vector<16xf32>
      %mul3A_158 = arith.mulf %sub3A_157, %get3A_15 : vector<16xf32>
      %swap3A_159 = arith.index_cast %scan3A_12 : i32 to index
      %swap3A_160 = arith.constant 144 : index
      %swap3A_161 = tpu.vector_load %arg8[%swap3A_159, %swap3A_160] {strides = array<i32>} : memref<32x256xf32, #tpu.memory_space<vmem>>, vector<1x16xf32>,
      %swap3A_162 = vector.shape_cast %swap3A_161 : vector<1x16xf32> to vector<16xf32>
      %swap3A_163 = vector.shape_cast %mul3A_158 : vector<16xf32> to vector<1x16xf32>
      tpu.vector_store %arg8[%swap3A_159, %swap3A_160], %swap3A_163 {strides = array<i32>} : memref<32x256xf32, #tpu.memory_space<vmem>>, vector<1x16xf32>,
      %get3A_164 = arith.index_cast %scan3A_12 : i32 to index
      %get3A_165 = arith.constant 160 : index
      %get3A_166 = tpu.vector_load %arg8[%get3A_164, %get3A_165] {strides = array<i32>} : memref<32x256xf32, #tpu.memory_space<vmem>>, vector<1x16xf32>,
      %get3A_167 = vector.shape_cast %get3A_166 : vector<1x16xf32> to vector<16xf32>
      %get3A_168 = arith.index_cast %scan3A_12 : i32 to index
      %get3A_169 = arith.constant 160 : index
      %get3A_170 = tpu.vector_load %arg9[%get3A_168, %get3A_169] {strides = array<i32>} : memref<32x256xf32, #tpu.memory_space<vmem>>, vector<1x16xf32>,
      %get3A_171 = vector.shape_cast %get3A_170 : vector<1x16xf32> to vector<16xf32>
      %sub3A_172 = arith.subf %get3A_167, %get3A_171 : vector<16xf32>
      %mul3A_173 = arith.mulf %sub3A_172, %get3A_15 : vector<16xf32>
      %swap3A_174 = arith.index_cast %scan3A_12 : i32 to index
      %swap3A_175 = arith.constant 160 : index
      %swap3A_176 = tpu.vector_load %arg8[%swap3A_174, %swap3A_175] {strides = array<i32>} : memref<32x256xf32, #tpu.memory_space<vmem>>, vector<1x16xf32>,
      %swap3A_177 = vector.shape_cast %swap3A_176 : vector<1x16xf32> to vector<16xf32>
      %swap3A_178 = vector.shape_cast %mul3A_173 : vector<16xf32> to vector<1x16xf32>
      tpu.vector_store %arg8[%swap3A_174, %swap3A_175], %swap3A_178 {strides = array<i32>} : memref<32x256xf32, #tpu.memory_space<vmem>>, vector<1x16xf32>,
      %get3A_179 = arith.index_cast %scan3A_12 : i32 to index
      %get3A_180 = arith.constant 176 : index
      %get3A_181 = tpu.vector_load %arg8[%get3A_179, %get3A_180] {strides = array<i32>} : memref<32x256xf32, #tpu.memory_space<vmem>>, vector<1x16xf32>,
      %get3A_182 = vector.shape_cast %get3A_181 : vector<1x16xf32> to vector<16xf32>
      %get3A_183 = arith.index_cast %scan3A_12 : i32 to index
      %get3A_184 = arith.constant 176 : index
      %get3A_185 = tpu.vector_load %arg9[%get3A_183, %get3A_184] {strides = array<i32>} : memref<32x256xf32, #tpu.memory_space<vmem>>, vector<1x16xf32>,
      %get3A_186 = vector.shape_cast %get3A_185 : vector<1x16xf32> to vector<16xf32>
      %sub3A_187 = arith.subf %get3A_182, %get3A_186 : vector<16xf32>
      %mul3A_188 = arith.mulf %sub3A_187, %get3A_15 : vector<16xf32>
      %swap3A_189 = arith.index_cast %scan3A_12 : i32 to index
      %swap3A_190 = arith.constant 176 : index
      %swap3A_191 = tpu.vector_load %arg8[%swap3A_189, %swap3A_190] {strides = array<i32>} : memref<32x256xf32, #tpu.memory_space<vmem>>, vector<1x16xf32>,
      %swap3A_192 = vector.shape_cast %swap3A_191 : vector<1x16xf32> to vector<16xf32>
      %swap3A_193 = vector.shape_cast %mul3A_188 : vector<16xf32> to vector<1x16xf32>
      tpu.vector_store %arg8[%swap3A_189, %swap3A_190], %swap3A_193 {strides = array<i32>} : memref<32x256xf32, #tpu.memory_space<vmem>>, vector<1x16xf32>,
      %get3A_194 = arith.index_cast %scan3A_12 : i32 to index
      %get3A_195 = arith.constant 192 : index
      %get3A_196 = tpu.vector_load %arg8[%get3A_194, %get3A_195] {strides = array<i32>} : memref<32x256xf32, #tpu.memory_space<vmem>>, vector<1x16xf32>,
      %get3A_197 = vector.shape_cast %get3A_196 : vector<1x16xf32> to vector<16xf32>
      %get3A_198 = arith.index_cast %scan3A_12 : i32 to index
      %get3A_199 = arith.constant 192 : index
      %get3A_200 = tpu.vector_load %arg9[%get3A_198, %get3A_199] {strides = array<i32>} : memref<32x256xf32, #tpu.memory_space<vmem>>, vector<1x16xf32>,
      %get3A_201 = vector.shape_cast %get3A_200 : vector<1x16xf32> to vector<16xf32>
      %sub3A_202 = arith.subf %get3A_197, %get3A_201 : vector<16xf32>
      %mul3A_203 = arith.mulf %sub3A_202, %get3A_15 : vector<16xf32>
      %swap3A_204 = arith.index_cast %scan3A_12 : i32 to index
      %swap3A_205 = arith.constant 192 : index
      %swap3A_206 = tpu.vector_load %arg8[%swap3A_204, %swap3A_205] {strides = array<i32>} : memref<32x256xf32, #tpu.memory_space<vmem>>, vector<1x16xf32>,
      %swap3A_207 = vector.shape_cast %swap3A_206 : vector<1x16xf32> to vector<16xf32>
      %swap3A_208 = vector.shape_cast %mul3A_203 : vector<16xf32> to vector<1x16xf32>
      tpu.vector_store %arg8[%swap3A_204, %swap3A_205], %swap3A_208 {strides = array<i32>} : memref<32x256xf32, #tpu.memory_space<vmem>>, vector<1x16xf32>,
      %get3A_209 = arith.index_cast %scan3A_12 : i32 to index
      %get3A_210 = arith.constant 208 : index
      %get3A_211 = tpu.vector_load %arg8[%get3A_209, %get3A_210] {strides = array<i32>} : memref<32x256xf32, #tpu.memory_space<vmem>>, vector<1x16xf32>,
      %get3A_212 = vector.shape_cast %get3A_211 : vector<1x16xf32> to vector<16xf32>
      %get3A_213 = arith.index_cast %scan3A_12 : i32 to index
      %get3A_214 = arith.constant 208 : index
      %get3A_215 = tpu.vector_load %arg9[%get3A_213, %get3A_214] {strides = array<i32>} : memref<32x256xf32, #tpu.memory_space<vmem>>, vector<1x16xf32>,
      %get3A_216 = vector.shape_cast %get3A_215 : vector<1x16xf32> to vector<16xf32>
      %sub3A_217 = arith.subf %get3A_212, %get3A_216 : vector<16xf32>
      %mul3A_218 = arith.mulf %sub3A_217, %get3A_15 : vector<16xf32>
      %swap3A_219 = arith.index_cast %scan3A_12 : i32 to index
      %swap3A_220 = arith.constant 208 : index
      %swap3A_221 = tpu.vector_load %arg8[%swap3A_219, %swap3A_220] {strides = array<i32>} : memref<32x256xf32, #tpu.memory_space<vmem>>, vector<1x16xf32>,
      %swap3A_222 = vector.shape_cast %swap3A_221 : vector<1x16xf32> to vector<16xf32>
      %swap3A_223 = vector.shape_cast %mul3A_218 : vector<16xf32> to vector<1x16xf32>
      tpu.vector_store %arg8[%swap3A_219, %swap3A_220], %swap3A_223 {strides = array<i32>} : memref<32x256xf32, #tpu.memory_space<vmem>>, vector<1x16xf32>,
      %get3A_224 = arith.index_cast %scan3A_12 : i32 to index
      %get3A_225 = arith.constant 224 : index
      %get3A_226 = tpu.vector_load %arg8[%get3A_224, %get3A_225] {strides = array<i32>} : memref<32x256xf32, #tpu.memory_space<vmem>>, vector<1x16xf32>,
      %get3A_227 = vector.shape_cast %get3A_226 : vector<1x16xf32> to vector<16xf32>
      %get3A_228 = arith.index_cast %scan3A_12 : i32 to index
      %get3A_229 = arith.constant 224 : index
      %get3A_230 = tpu.vector_load %arg9[%get3A_228, %get3A_229] {strides = array<i32>} : memref<32x256xf32, #tpu.memory_space<vmem>>, vector<1x16xf32>,
      %get3A_231 = vector.shape_cast %get3A_230 : vector<1x16xf32> to vector<16xf32>
      %sub3A_232 = arith.subf %get3A_227, %get3A_231 : vector<16xf32>
      %mul3A_233 = arith.mulf %sub3A_232, %get3A_15 : vector<16xf32>
      %swap3A_234 = arith.index_cast %scan3A_12 : i32 to index
      %swap3A_235 = arith.constant 224 : index
      %swap3A_236 = tpu.vector_load %arg8[%swap3A_234, %swap3A_235] {strides = array<i32>} : memref<32x256xf32, #tpu.memory_space<vmem>>, vector<1x16xf32>,
      %swap3A_237 = vector.shape_cast %swap3A_236 : vector<1x16xf32> to vector<16xf32>
      %swap3A_238 = vector.shape_cast %mul3A_233 : vector<16xf32> to vector<1x16xf32>
      tpu.vector_store %arg8[%swap3A_234, %swap3A_235], %swap3A_238 {strides = array<i32>} : memref<32x256xf32, #tpu.memory_space<vmem>>, vector<1x16xf32>,
      %get3A_239 = arith.index_cast %scan3A_12 : i32 to index
      %get3A_240 = arith.constant 240 : index
      %get3A_241 = tpu.vector_load %arg8[%get3A_239, %get3A_240] {strides = array<i32>} : memref<32x256xf32, #tpu.memory_space<vmem>>, vector<1x16xf32>,
      %get3A_242 = vector.shape_cast %get3A_241 : vector<1x16xf32> to vector<16xf32>
      %get3A_243 = arith.index_cast %scan3A_12 : i32 to index
      %get3A_244 = arith.constant 240 : index
      %get3A_245 = tpu.vector_load %arg9[%get3A_243, %get3A_244] {strides = array<i32>} : memref<32x256xf32, #tpu.memory_space<vmem>>, vector<1x16xf32>,
      %get3A_246 = vector.shape_cast %get3A_245 : vector<1x16xf32> to vector<16xf32>
      %sub3A_247 = arith.subf %get3A_242, %get3A_246 : vector<16xf32>
      %mul3A_248 = arith.mulf %sub3A_247, %get3A_15 : vector<16xf32>
      %swap3A_249 = arith.index_cast %scan3A_12 : i32 to index
      %swap3A_250 = arith.constant 240 : index
      %swap3A_251 = tpu.vector_load %arg8[%swap3A_249, %swap3A_250] {strides = array<i32>} : memref<32x256xf32, #tpu.memory_space<vmem>>, vector<1x16xf32>,
      %swap3A_252 = vector.shape_cast %swap3A_251 : vector<1x16xf32> to vector<16xf32>
      %swap3A_253 = vector.shape_cast %mul3A_248 : vector<16xf32> to vector<1x16xf32>
      tpu.vector_store %arg8[%swap3A_249, %swap3A_250], %swap3A_253 {strides = array<i32>} : memref<32x256xf32, #tpu.memory_space<vmem>>, vector<1x16xf32>,
    }
    %scan3A_11 = arith.constant 32 : i32
    "tpu.region"() ({
      %run_scoped3A = tpu.sem_alloc : memref<!tpu.dma_semaphore, #tpu.memory_space<semaphore_mem>>
      %dma_start3A_12 = arith.constant 0 : i32
      %dma_start3A_13 = tpu.memref_slice %arg6[%mul3A_2, %dma_start3A_12] : memref<1024x256xf32, #tpu.memory_space<hbm>> -> memref<32x256xf32, #tpu.memory_space<hbm>>
      %dma_start3A_14 = arith.constant 0 : i32
      %dma_start3A_15 = tpu.memref_slice %arg6[%mul3A_2, %dma_start3A_14] : memref<1024x256xf32, #tpu.memory_space<hbm>> -> memref<32x256xf32, #tpu.memory_space<hbm>>
      tpu.enqueue_dma source(%arg8 : memref<32x256xf32, #tpu.memory_space<vmem>>) target(%dma_start3A_15 : memref<32x256xf32, #tpu.memory_space<hbm>>) target_semaphore(%run_scoped3A : memref<!tpu.dma_semaphore, #tpu.memory_space<semaphore_mem>>)
      %dma_wait3A_16 = arith.constant 0 : i32
      %dma_wait3A_17 = tpu.memref_slice %arg6[%mul3A_2, %dma_wait3A_16] : memref<1024x256xf32, #tpu.memory_space<hbm>> -> memref<32x256xf32, #tpu.memory_space<hbm>>
      %dma_wait3A_18 = arith.constant 0 : i32
      %dma_wait3A_19 = tpu.memref_slice %arg6[%mul3A_2, %dma_wait3A_18] : memref<1024x256xf32, #tpu.memory_space<hbm>> -> memref<32x256xf32, #tpu.memory_space<hbm>>
      tpu.wait_dma2 semaphore(%run_scoped3A : memref<!tpu.dma_semaphore, #tpu.memory_space<semaphore_mem>>) src(%arg8 : memref<32x256xf32, #tpu.memory_space<vmem>>) dst(%dma_wait3A_19 : memref<32x256xf32, #tpu.memory_space<hbm>>)
      tpu.yield
    }) : () -> ()
    return
  }
}

module attributes {stable_mosaic.version = 14 : i64} {
  func.func @_tc_body(%arg0: i32, %arg1: memref<512x256xf32, #tpu.memory_space<vmem>>, %arg2: memref<256x1024xf32, #tpu.memory_space<vmem>>, %arg3: memref<1x1024xf32, #tpu.memory_space<vmem>>, %arg4: memref<512x1024xf32, #tpu.memory_space<vmem>>, %arg5: memref<512x256xf32, #tpu.memory_space<vmem>>, %arg6: memref<1x1024xf32, #tpu.memory_space<vmem>>, %arg7: memref<1024x16xf32, #tpu.memory_space<vmem>>, %arg8: memref<1x1024xf32, #tpu.memory_space<vmem>>, %arg9: memref<1x1024xf32, #tpu.memory_space<vmem>>) attributes {dimension_semantics = [#tpu.dimension_semantics<arbitrary>], iteration_bounds = array<i64: 32>, scalar_prefetch = 0 : i64, scratch_operands = 2 : i64, tpu.core_type = #tpu.core_type<tc>, window_params = [{transform_indices = @transform_0, window_bounds = array<i64: 512, 256>}, {pipeline_mode = #tpu.pipeline_mode<synchronous>, transform_indices = @transform_1, window_bounds = array<i64: 256, 1024>}, {pipeline_mode = #tpu.pipeline_mode<synchronous>, transform_indices = @transform_2, window_bounds = array<i64: 1, 1024>}, {transform_indices = @transform_3, window_bounds = array<i64: 512, 1024>}, {transform_indices = @transform_4, window_bounds = array<i64: 512, 256>}, {pipeline_mode = #tpu.pipeline_mode<synchronous>, transform_indices = @transform_5, window_bounds = array<i64: 1, 1024>}, {pipeline_mode = #tpu.pipeline_mode<synchronous>, transform_indices = @transform_6, window_bounds = array<i64: 1024, 16>}]} {
    %get3A = arith.constant 0 : index
    %get3A_0 = arith.constant 0 : index
    %get3A_1 = vector.load %arg2[%get3A, %get3A_0] : memref<256x1024xf32, #tpu.memory_space<vmem>>, vector<256x1024xf32>
    %eq3A = arith.constant 0 : i32
    %eq3A_2 = arith.cmpi eq, %arg0, %eq3A : i32
    %convert_element_type3A = arith.extui %eq3A_2 : i1 to i32
    %cond3A = arith.constant 0 : i32
    %cond3A_3 = arith.cmpi ne, %convert_element_type3A, %cond3A : i32
    scf.if %cond3A_3 {
      %mul3A_68 = arith.mulf %get3A_1, %get3A_1 : vector<256x1024xf32>
      %reduce_sum3A_69 = arith.constant dense<0.000000e+00> : vector<1024xf32>
      %reduce_sum3A_70 = vector.multi_reduction <add>, %mul3A_68, %reduce_sum3A_69 [0] : vector<256x1024xf32> to vector<1024xf32>
      %broadcast_in_dim3A_71 = vector.shape_cast %reduce_sum3A_70 : vector<1024xf32> to vector<1x1024xf32>
      %swap3A_72 = arith.constant 0 : index
      %swap3A_73 = arith.constant 0 : index
      %swap3A_74 = vector.load %arg9[%swap3A_72, %swap3A_73] : memref<1x1024xf32, #tpu.memory_space<vmem>>, vector<1x1024xf32>
      tpu.vector_store %arg9[%swap3A_72, %swap3A_73], %broadcast_in_dim3A_71 {strides = array<i32>} : memref<1x1024xf32, #tpu.memory_space<vmem>>, vector<1x1024xf32>,
    } else {
    }
    %get3A_4 = arith.constant 0 : index
    %get3A_5 = arith.constant 0 : index
    %get3A_6 = vector.load %arg1[%get3A_4, %get3A_5] : memref<512x256xf32, #tpu.memory_space<vmem>>, vector<512x256xf32>
    %get3A_7 = arith.constant 0 : index
    %get3A_8 = arith.constant 0 : index
    %get3A_9 = vector.load %arg9[%get3A_7, %get3A_8] : memref<1x1024xf32, #tpu.memory_space<vmem>>, vector<1x1024xf32>
    %dot_general3A = arith.constant dense<0.000000e+00> : vector<512x1024xf32>
    %dot_general3A_10 = tpu.matmul %get3A_6, %get3A_1, %dot_general3A {dimension_numbers = #tpu.dot_dimension_numbers<[1], [0], [0], [1], [0, 0, 1, 1], [], []>, transpose_lhs_hint = false} : vector<512x256xf32>, vector<256x1024xf32>, vector<512x1024xf32> -> vector<512x1024xf32>
    %mul3A = arith.mulf %get3A_6, %get3A_6 : vector<512x256xf32>
    %reduce_sum3A = arith.constant dense<0.000000e+00> : vector<512xf32>
    %reduce_sum3A_11 = vector.multi_reduction <add>, %mul3A, %reduce_sum3A [1] : vector<512x256xf32> to vector<512xf32>
    %broadcast_in_dim3A = vector.shape_cast %reduce_sum3A_11 : vector<512xf32> to vector<512x1xf32>
    %add3A = vector.broadcast %broadcast_in_dim3A : vector<512x1xf32> to vector<512x1024xf32>
    %add3A_12 = vector.broadcast %get3A_9 : vector<1x1024xf32> to vector<512x1024xf32>
    %add3A_13 = arith.addf %add3A, %add3A_12 : vector<512x1024xf32>
    %mul3A_14 = arith.constant 2.000000e+00 : f32
    %mul3A_15 = vector.broadcast %mul3A_14 : f32 to vector<512x1024xf32>
    %mul3A_16 = arith.mulf %mul3A_15, %dot_general3A_10 : vector<512x1024xf32>
    %sub3A = arith.subf %add3A_13, %mul3A_16 : vector<512x1024xf32>
    %reduce_min3A = arith.constant dense<0x7F800000> : vector<512xf32>
    %reduce_min3A_17 = vector.multi_reduction <minimumf>, %sub3A, %reduce_min3A [1] : vector<512x1024xf32> to vector<512xf32>
    %broadcast_in_dim3A_18 = vector.shape_cast %reduce_min3A_17 : vector<512xf32> to vector<512x1xf32>
    %mul3A_19 = arith.constant -1.000000e+02 : f32
    %mul3A_20 = vector.broadcast %mul3A_19 : f32 to vector<512x1024xf32>
    %mul3A_21 = arith.mulf %mul3A_20, %sub3A : vector<512x1024xf32>
    %mul3A_22 = arith.constant -1.000000e+02 : f32
    %mul3A_23 = vector.broadcast %mul3A_22 : f32 to vector<512x1xf32>
    %mul3A_24 = arith.mulf %mul3A_23, %broadcast_in_dim3A_18 : vector<512x1xf32>
    %sub3A_25 = vector.broadcast %mul3A_24 : vector<512x1xf32> to vector<512x1024xf32>
    %sub3A_26 = arith.subf %mul3A_21, %sub3A_25 : vector<512x1024xf32>
    %exp3A = math.exp %sub3A_26 : vector<512x1024xf32>
    %reduce_sum3A_27 = arith.constant dense<0.000000e+00> : vector<512xf32>
    %reduce_sum3A_28 = vector.multi_reduction <add>, %exp3A, %reduce_sum3A_27 [1] : vector<512x1024xf32> to vector<512xf32>
    %broadcast_in_dim3A_29 = vector.shape_cast %reduce_sum3A_28 : vector<512xf32> to vector<512x1xf32>
    %div3A = arith.constant 1.000000e+00 : f32
    %div3A_30 = vector.broadcast %div3A : f32 to vector<512x1xf32>
    %div3A_31 = arith.divf %div3A_30, %broadcast_in_dim3A_29 : vector<512x1xf32>
    %mul3A_32 = vector.broadcast %div3A_31 : vector<512x1xf32> to vector<512x1024xf32>
    %mul3A_33 = arith.mulf %exp3A, %mul3A_32 : vector<512x1024xf32>
    %swap3A = arith.constant 0 : index
    %swap3A_34 = arith.constant 0 : index
    %swap3A_35 = vector.load %arg4[%swap3A, %swap3A_34] : memref<512x1024xf32, #tpu.memory_space<vmem>>, vector<512x1024xf32>
    tpu.vector_store %arg4[%swap3A, %swap3A_34], %mul3A_33 {strides = array<i32>} : memref<512x1024xf32, #tpu.memory_space<vmem>>, vector<512x1024xf32>,
    %eq3A_36 = vector.broadcast %broadcast_in_dim3A_18 : vector<512x1xf32> to vector<512x1024xf32>
    %eq3A_37 = arith.cmpf oeq, %sub3A, %eq3A_36 : vector<512x1024xf32>
    %iota3A = tpu.iota {dimensions = array<i32: 1>} : vector<512x1024xi32>
    %jit3A = arith.constant 1024 : i32
    %broadcast_in_dim3A_38 = vector.broadcast %jit3A : i32 to vector<512x1024xi32>
    %select_n3A = arith.select %eq3A_37, %iota3A, %broadcast_in_dim3A_38 : vector<512x1024xi1>, vector<512x1024xi32>
    %reduce_min3A_39 = arith.constant dense<2147483647> : vector<512xi32>
    %reduce_min3A_40 = vector.multi_reduction <minsi>, %select_n3A, %reduce_min3A_39 [1] : vector<512x1024xi32> to vector<512xi32>
    %broadcast_in_dim3A_41 = vector.shape_cast %reduce_min3A_40 : vector<512xi32> to vector<512x1xi32>
    %eq3A_42 = vector.broadcast %broadcast_in_dim3A_41 : vector<512x1xi32> to vector<512x1024xi32>
    %eq3A_43 = arith.cmpi eq, %eq3A_42, %iota3A : vector<512x1024xi32>
    %convert_element_type3A_44 = arith.extui %eq3A_43 : vector<512x1024xi1> to vector<512x1024xi32>
    %convert_element_type3A_45 = arith.sitofp %convert_element_type3A_44 : vector<512x1024xi32> to vector<512x1024xf32>
    %dot_general3A_46 = arith.constant dense<0.000000e+00> : vector<512x256xf32>
    %dot_general3A_47 = tpu.matmul %convert_element_type3A_45, %get3A_1, %dot_general3A_46 {dimension_numbers = #tpu.dot_dimension_numbers<[1], [1], [0], [0], [0, 0, 1, 0], [], []>, transpose_lhs_hint = false} : vector<512x1024xf32>, vector<256x1024xf32>, vector<512x256xf32> -> vector<512x256xf32>
    %swap3A_48 = arith.constant 0 : index
    %swap3A_49 = arith.constant 0 : index
    %swap3A_50 = vector.load %arg5[%swap3A_48, %swap3A_49] : memref<512x256xf32, #tpu.memory_space<vmem>>, vector<512x256xf32>
    tpu.vector_store %arg5[%swap3A_48, %swap3A_49], %dot_general3A_47 {strides = array<i32>} : memref<512x256xf32, #tpu.memory_space<vmem>>, vector<512x256xf32>,
    %reduce_sum3A_51 = arith.constant dense<0.000000e+00> : vector<1024xf32>
    %reduce_sum3A_52 = vector.multi_reduction <add>, %convert_element_type3A_45, %reduce_sum3A_51 [0] : vector<512x1024xf32> to vector<1024xf32>
    %broadcast_in_dim3A_53 = vector.shape_cast %reduce_sum3A_52 : vector<1024xf32> to vector<1x1024xf32>
    %eq3A_54 = arith.constant 0 : i32
    %eq3A_55 = arith.cmpi eq, %arg0, %eq3A_54 : i32
    %convert_element_type3A_56 = arith.extui %eq3A_55 : i1 to i32
    %cond3A_57 = arith.constant 0 : i32
    %cond3A_58 = arith.cmpi ne, %convert_element_type3A_56, %cond3A_57 : i32
    scf.if %cond3A_58 {
      %swap3A_68 = arith.constant 0 : index
      %swap3A_69 = arith.constant 0 : index
      %swap3A_70 = vector.load %arg8[%swap3A_68, %swap3A_69] : memref<1x1024xf32, #tpu.memory_space<vmem>>, vector<1x1024xf32>
      tpu.vector_store %arg8[%swap3A_68, %swap3A_69], %broadcast_in_dim3A_53 {strides = array<i32>} : memref<1x1024xf32, #tpu.memory_space<vmem>>, vector<1x1024xf32>,
    } else {
    }
    %gt3A = arith.constant 0 : i32
    %gt3A_59 = arith.cmpi sgt, %arg0, %gt3A : i32
    %convert_element_type3A_60 = arith.extui %gt3A_59 : i1 to i32
    %cond3A_61 = arith.constant 0 : i32
    %cond3A_62 = arith.cmpi ne, %convert_element_type3A_60, %cond3A_61 : i32
    scf.if %cond3A_62 {
      %get3A_68 = arith.constant 0 : index
      %get3A_69 = arith.constant 0 : index
      %get3A_70 = vector.load %arg8[%get3A_68, %get3A_69] : memref<1x1024xf32, #tpu.memory_space<vmem>>, vector<1x1024xf32>
      %add3A_71 = arith.addf %get3A_70, %broadcast_in_dim3A_53 : vector<1x1024xf32>
      %swap3A_72 = arith.constant 0 : index
      %swap3A_73 = arith.constant 0 : index
      %swap3A_74 = vector.load %arg8[%swap3A_72, %swap3A_73] : memref<1x1024xf32, #tpu.memory_space<vmem>>, vector<1x1024xf32>
      tpu.vector_store %arg8[%swap3A_72, %swap3A_73], %add3A_71 {strides = array<i32>} : memref<1x1024xf32, #tpu.memory_space<vmem>>, vector<1x1024xf32>,
    } else {
    }
    %eq3A_63 = arith.constant 31 : i32
    %eq3A_64 = arith.cmpi eq, %arg0, %eq3A_63 : i32
    %convert_element_type3A_65 = arith.extui %eq3A_64 : i1 to i32
    %cond3A_66 = arith.constant 0 : i32
    %cond3A_67 = arith.cmpi ne, %convert_element_type3A_65, %cond3A_66 : i32
    scf.if %cond3A_67 {
      %get3A_68 = arith.constant 0 : index
      %get3A_69 = arith.constant 0 : index
      %get3A_70 = vector.load %arg3[%get3A_68, %get3A_69] : memref<1x1024xf32, #tpu.memory_space<vmem>>, vector<1x1024xf32>
      %get3A_71 = arith.constant 0 : index
      %get3A_72 = arith.constant 0 : index
      %get3A_73 = vector.load %arg8[%get3A_71, %get3A_72] : memref<1x1024xf32, #tpu.memory_space<vmem>>, vector<1x1024xf32>
      %add3A_74 = arith.addf %get3A_70, %get3A_73 : vector<1x1024xf32>
      %swap3A_75 = arith.constant 0 : index
      %swap3A_76 = arith.constant 0 : index
      %swap3A_77 = vector.load %arg6[%swap3A_75, %swap3A_76] : memref<1x1024xf32, #tpu.memory_space<vmem>>, vector<1x1024xf32>
      tpu.vector_store %arg6[%swap3A_75, %swap3A_76], %add3A_74 {strides = array<i32>} : memref<1x1024xf32, #tpu.memory_space<vmem>>, vector<1x1024xf32>,
      %reduce_sum3A_78 = vector.shape_cast %add3A_74 : vector<1x1024xf32> to vector<1x1x1024xf32>
      %reduce_sum3A_79 = arith.constant dense<0.000000e+00> : vector<1xf32>
      %reduce_sum3A_80 = vector.multi_reduction <add>, %reduce_sum3A_78, %reduce_sum3A_79 [1, 2] : vector<1x1x1024xf32> to vector<1xf32>
      %reduce_sum3A_81 = vector.shape_cast %reduce_sum3A_80 : vector<1xf32> to vector<1x1x1xf32>
      %reduce_sum3A_82 = vector.extract %reduce_sum3A_81[0, 0, 0] : f32 from vector<1x1x1xf32>
      %div3A_83 = arith.constant 1.024000e+05 : f32
      %div3A_84 = arith.divf %reduce_sum3A_82, %div3A_83 : f32
      %lt3A = vector.broadcast %div3A_84 : f32 to vector<1x1024xf32>
      %lt3A_85 = arith.cmpf olt, %add3A_74, %lt3A : vector<1x1024xf32>
      %jit3A_86 = arith.constant 1.000000e+00 : f32
      %jit3A_87 = arith.constant 0.000000e+00 : f32
      %broadcast_in_dim3A_88 = vector.broadcast %jit3A_86 : f32 to vector<1x1024xf32>
      %broadcast_in_dim3A_89 = vector.broadcast %jit3A_87 : f32 to vector<1x1024xf32>
      %select_n3A_90 = arith.select %lt3A_85, %broadcast_in_dim3A_88, %broadcast_in_dim3A_89 : vector<1x1024xi1>, vector<1x1024xf32>
      %reshape3A = vector.shape_cast %select_n3A_90 : vector<1x1024xf32> to vector<1024x1xf32>
      %broadcast_in_dim3A_91 = vector.shape_cast %reshape3A : vector<1024x1xf32> to vector<1024x1xf32>
      %broadcast_in_dim3A_92 = vector.broadcast %broadcast_in_dim3A_91 : vector<1024x1xf32> to vector<1024x16xf32>
      %swap3A_93 = arith.constant 0 : index
      %swap3A_94 = arith.constant 0 : index
      %swap3A_95 = vector.load %arg7[%swap3A_93, %swap3A_94] : memref<1024x16xf32, #tpu.memory_space<vmem>>, vector<1024x16xf32>
      tpu.vector_store %arg7[%swap3A_93, %swap3A_94], %broadcast_in_dim3A_92 {strides = array<i32>} : memref<1024x16xf32, #tpu.memory_space<vmem>>, vector<1024x16xf32>,
    } else {
    }
    return
  }
  func.func @transform_0(%arg0: i32) -> (i32, i32) {
    %c0_i32 = arith.constant 0 : i32
    %c0_i32_0 = arith.constant 0 : i32
    return %arg0, %c0_i32 : i32, i32
  }
  func.func @transform_1(%arg0: i32) -> (i32, i32) {
    %c0_i32 = arith.constant 0 : i32
    %c0_i32_0 = arith.constant 0 : i32
    %c0_i32_1 = arith.constant 0 : i32
    return %c0_i32, %c0_i32_0 : i32, i32
  }
  func.func @transform_2(%arg0: i32) -> (i32, i32) {
    %c0_i32 = arith.constant 0 : i32
    %c0_i32_0 = arith.constant 0 : i32
    %c0_i32_1 = arith.constant 0 : i32
    return %c0_i32, %c0_i32_0 : i32, i32
  }
  func.func @transform_3(%arg0: i32) -> (i32, i32) {
    %c0_i32 = arith.constant 0 : i32
    %c0_i32_0 = arith.constant 0 : i32
    return %arg0, %c0_i32 : i32, i32
  }
  func.func @transform_4(%arg0: i32) -> (i32, i32) {
    %c0_i32 = arith.constant 0 : i32
    %c0_i32_0 = arith.constant 0 : i32
    return %arg0, %c0_i32 : i32, i32
  }
  func.func @transform_5(%arg0: i32) -> (i32, i32) {
    %c0_i32 = arith.constant 0 : i32
    %c0_i32_0 = arith.constant 0 : i32
    %c0_i32_1 = arith.constant 0 : i32
    return %c0_i32, %c0_i32_0 : i32, i32
  }
  func.func @transform_6(%arg0: i32) -> (i32, i32) {
    %c0_i32 = arith.constant 0 : i32
    %c0_i32_0 = arith.constant 0 : i32
    %c0_i32_1 = arith.constant 0 : i32
    return %c0_i32, %c0_i32_0 : i32, i32
  }
}

</mosaic_0001>

<sc_bundles>
// kernel: kernel.4.cloned.1.call-start
scs
__scs_entry_jumppad:
0x0: {  	(pc) =	sbr.rel $0x88, $3  }
0x1: {  	(tag) =	ssettag $0x0;
	lr =	simm.s32 $0x1  }
0x2: {  	[smem:$0x3F9D] =	sst lr;
	_ =	strace $0xD0000000  }
0x3: {  	_ = 	snop  }
0x4: {  	_ = 	snop  }
0x5: {  	_ = 	snop  }
0x6: {  	_ = 	snop  }
0x7: {  	_ = 	snop  }
__scs_overlays_trampoline_lowered:
0x8: {  	[smem:$0x3FAC] =	sst s0  }
0x9: {  	[smem:$0x3FAD] =	sst s1  }
0xa: {  	[smem:$0x3FAE] =	sst s2  }
0xb: {  	[smem:$0x3FAF] =	sst s3  }
0xc: {  	[smem:$0x3FB0] =	sst s4  }
0xd: {  	[smem:$0x3FB1] =	sst s5  }
0xe: {  	[smem:$0x3FB2] =	sst s6  }
0xf: {  	[smem:$0x3FB3] =	sst s7  }
0x10: {  	[smem:$0x3FB4] =	sst s8  }
0x11: {  	[smem:$0x3FB5] =	sst s9;
	s0 =	simm.s32 @!p0 $0x0  }
0x12: {  	s1 =	sld [smem:$0x3F9B];
	s0 =	simm.s32 @p0 $0x1  }
0x13: {  	[smem:$0x3FB6] =	sst s0;
	s0 =	simm.s32 @!p1 $0x0  }
0x14: {  	s2 =	sld [smem:$0x3F9A];
	s0 =	simm.s32 @p1 $0x1  }
0x15: {  	[smem:$0x3FB7] =	sst s0;
	s0 =	simm.s32 @!p2 $0x0  }
0x16: {  	s3 =	sld [smem:$0x3FDB];
	s0 =	simm.s32 @p2 $0x1  }
0x17: {  	s4 =	simm.s32 $0x1BF5;
	[smem:$0x3FB9] =	sst s0  }
0x18: {  	s0 =	sld [smem:$0x3F9C];
	_ =	swait.ge [sflag:s4], $0x0  }
0x19: {  	s7 =	sld [smem:$0x3F9D]  }
0x1a: {  	s8 =	sadd.s32 $0xFFFFE003, lr  }
0x1b: {  	s9 =	sadd.s32 $0xFFFFFEF7, lr;
	s5 =	simm.s32 $0xFFFFFFFF;
	p2 =	slt.u32 s8, $0xFFFFF086  }
0x1c: {  	p1 =	slt.u32 s9, $0xF7A;
	s5 =	simm.s32 @!p2 $0x0  }
0x1d: {  	s5 =	simm.s32 @p1 $0x1;
	p0 =	seq.s32 s7, s2  }
0x1e: {  	s7 =	smul.u32 @!p0 $0xF7A, s2;
	p2 =	seq.s32 @!p0 s5, $0x0  }
0x1f: {  	s9 =	smul.u32 $0xF7A, s1;
	s8 =	simm.s32 @!p0 $0x1BF5;
	p2 =	por !p2, p0  }
0x20: {  	[sflag:s8] =	ssyncset.s32 @!p0 $0xFFFFF086;
	s6 =	sadd.s32 @!p0 s3, s7;
	s7 =	simm.s32 @!p0 $0x108  }
0x21: {  	s3 =	sadd.s32 s3, s9;
	s6 =	sadd.s32 @!p0 $0x88, s6;
	s7 =	simm.s32 @p2 $0x1082  }
0x22: {  	[simem:s7], [sflag:s8] =	dma.local @!p0 [hbm:s6], $0xF7A  }
0x23: {  	s9 =	sor.u32 $0xD0000000, s2;
	s6 =	simm.s32 $0x108;
	_ =	swait.ge @!p0 [sflag:s8], $0x0  }
0x24: {  	s3 =	sadd.s32 $0x88, s3;
	s6 =	simm.s32 @!p1 $0x1082;
	[sflag:s4] =	ssyncset.s32 $0xFFFFF086  }
0x25: {  	[simem:s6], [sflag:s4] =	dma.local [hbm:s3], $0xF7A  }
0x26: {  	[smem:$0x3F9D] =	sst s1;
	(tag) =	ssettag s2;
	_ =	strace s9  }
0x27: {  	s1 =	sld [smem:$0x3FAD]  }
0x28: {  	s2 =	sld [smem:$0x3FAE]  }
0x29: {  	s4 =	sld [smem:$0x3FB0]  }
0x2a: {  	p0 =	seq.s32 s5, $0x0;
	s5 =	sld [smem:$0x3FB1]  }
0x2b: {  	s6 =	sld [smem:$0x3FB2]  }
0x2c: {  	s7 =	sld [smem:$0x3FB3]  }
0x2d: {  	s3 =	simm.s32 $0x108;
	s8 =	sld [smem:$0x3FB4]  }
0x2e: {  	s3 =	simm.s32 @!p0 $0x1082;
	s9 =	sld [smem:$0x3FB5]  }
0x2f: {  	lr =	sadd.s32 s0, s3;
	s0 =	sld [smem:$0x3FAC]  }
0x30: {  	s3 =	sld [smem:$0x3FAF]  }
0x31: {  	[smem:$0x3FB8] =	sst s10  }
0x32: {  	s10 =	sld [smem:$0x3FB6];
	_ =	sdelay $0x3  }
0x33: {  	p0 =	seq.s32 s10, $0x1;
	s10 =	sld [smem:$0x3FB8];
	_ =	sdelay $0x3  }
0x34: {  	[smem:$0x3FB8] =	sst s10  }
0x35: {  	s10 =	sld [smem:$0x3FB7];
	_ =	sdelay $0x3  }
0x36: {  	p1 =	seq.s32 s10, $0x1;
	s10 =	sld [smem:$0x3FB8];
	_ =	sdelay $0x3  }
0x37: {  	[smem:$0x3FB8] =	sst s10  }
0x38: {  	s10 =	sld [smem:$0x3FB9]  }
0x39: {  	_ = 	snop;
	(pc) =	sbr.ind lr, $3  }
0x3a: {  	_ = 	snop  }
0x3b: {  	_ = 	snop  }
0x3c: {  	p2 =	seq.s32 s10, $0x1;
	s10 =	sld [smem:$0x3FB8]  }
0x3d: {  	_ =	shalt  }
0x3e: {  	_ =	shalt  }
0x3f: {  	_ =	shalt  }
0x40: {  	_ =	shalt  }
0x41: {  	_ =	shalt  }
0x42: {  	_ =	shalt  }
0x43: {  	_ =	shalt  }
0x44: {  	_ =	shalt  }
0x45: {  	_ =	shalt  }
0x46: {  	_ =	shalt  }
0x47: {  	_ =	shalt  }
0x48: {  	_ =	shalt  }
0x49: {  	_ =	shalt  }
0x4a: {  	_ =	shalt  }
0x4b: {  	_ =	shalt  }
0x4c: {  	_ =	shalt  }
0x4d: {  	_ =	shalt  }
0x4e: {  	_ =	shalt  }
0x4f: {  	_ =	shalt  }
0x50: {  	_ =	shalt  }
0x51: {  	_ =	shalt  }
0x52: {  	_ =	shalt  }
0x53: {  	_ =	shalt  }
0x54: {  	_ =	shalt  }
0x55: {  	_ =	shalt  }
0x56: {  	_ =	shalt  }
0x57: {  	_ =	shalt  }
0x58: {  	_ =	shalt  }
0x59: {  	_ =	shalt  }
0x5a: {  	_ =	shalt  }
0x5b: {  	_ =	shalt  }
0x5c: {  	_ =	shalt  }
0x5d: {  	_ =	shalt  }
0x5e: {  	_ =	shalt  }
0x5f: {  	_ =	shalt  }
0x60: {  	_ =	shalt  }
0x61: {  	_ =	shalt  }
0x62: {  	_ =	shalt  }
0x63: {  	_ =	shalt  }
0x64: {  	_ =	shalt  }
0x65: {  	_ =	shalt  }
0x66: {  	_ =	shalt  }
0x67: {  	_ =	shalt  }
0x68: {  	_ =	shalt  }
0x69: {  	_ =	shalt  }
0x6a: {  	_ =	shalt  }
0x6b: {  	_ =	shalt  }
0x6c: {  	_ =	shalt  }
0x6d: {  	_ =	shalt  }
0x6e: {  	_ =	shalt  }
0x6f: {  	_ =	shalt  }
0x70: {  	_ =	shalt  }
0x71: {  	_ =	shalt  }
0x72: {  	_ =	shalt  }
0x73: {  	_ =	shalt  }
0x74: {  	_ =	shalt  }
0x75: {  	_ =	shalt  }
0x76: {  	_ =	shalt  }
0x77: {  	_ =	shalt  }
0x78: {  	_ =	shalt  }
0x79: {  	_ =	shalt  }
0x7a: {  	_ =	shalt  }
0x7b: {  	_ =	shalt  }
0x7c: {  	_ =	shalt  }
0x7d: {  	_ =	shalt  }
0x7e: {  	_ =	shalt  }
0x7f: {  	_ =	shalt  }
0x80: {  	_ =	shalt  }
0x81: {  	_ =	shalt  }
0x82: {  	_ =	shalt  }
0x83: {  	_ =	shalt  }
0x84: {  	_ =	shalt  }
0x85: {  	_ =	shalt  }
0x86: {  	_ =	shalt  }
0x87: {  	_ =	shalt  }
.Lfunc_end0:
.L_simem_size_0:
called_computation_lowered:
.L_overlay_start_0:
0x88: {  	s2 =	sld [smem:$0x3FD9]  }
0x89: {  	s3 =	sld [smem:$0x3FFE];
	_ =	sdelay $0x1  }
0x8a: {  	s1 =	srdreg.scid  }
0x8b: {  	s0 =	sand.u32 $0x1, s1  }
0x8c: {  	s14 =	sshll.u32 s0, $0xA;
	s2 =	sadd.s32 s3, s2  }
0x8d: {  	s2 =	sadd.s32 s2, s14  }
0x8e: {  	[smem:$0x3FC4] =	sst s2  }
0x8f: {  	_ = 	snop  }
0x90: {  	s2 =	sld [smem:$0x3FD0]  }
0x91: {  	s15 =	sld [smem:$0x3FC9]  }
0x92: {  	s4 =	sld [smem:$0x3FC8]  }
0x93: {  	s6 =	simm.s32 $0xA;
	s7 =	simm.s32 $0x10;
	s5 =	sld [smem:$0x3FC6]  }
0x94: {  	[smem:s7], [sflag:s6] =	dma.local [hbm:s2], $0x1  }
0x95: {  	_ =	swait.eq [sflag:s6], $0x1  }
0x96: {  	[sflag:s6] =	ssyncset.done $0x0  }
0x97: {  	[sflag:s6] =	ssyncadd.s32 $0xFFFFFFFF  }
0x98: {  	s16 =	sld [smem:$0x13];
	(tm) =	ssettm $0x1  }
0x99: {  	s17 =	sld [smem:$0x3FFB];
	_ =	sdelay $0x3  }
0x9a: {  	_ =	strace s17  }
0x9b: {  	s6 =	sld [smem:$0x3FFC];
	_ =	sdelay $0x3  }
0x9c: {  	_ =	strace s6  }
0x9d: {  	s6 =	sld [smem:$0x3FFD];
	_ =	sdelay $0x3  }
0x9e: {  	_ =	strace s6  }
0x9f: {  	_ =	strace $0x8FFFFFFF  }
0xa0: {  	s18 =	sld [smem:$0x3FDB];
	_ =	sdelay $0x1  }
0xa1: {  	s19 =	simm.s32 $_scs_section_size  }
0xa2: {  	s8 =	simm.s32 $_size__tile_overlayer_lowered;
	s9 =	simm.s32 $_tile_overlayer_lowered  }
0xa3: {  	s22 =	simm.s32 $0x1BFF;
	s21 =	sshll.u32 s9, $0x1;
	s6 =	sadd.s32 s19, s18  }
0xa4: {  	s10 =	simm.s32 $0x0;
	s20 =	sshll.u32 s8, $0x1;
	s8 =	sadd.s32 s21, s6  }
0xa5: {  	[timem:s10], [sflag:s22] =	dma.local [hbm:s8], s20  }
0xa6: {  	_ =	swait.ge [sflag:s22], s20  }
0xa7: {  	s7 =	ssub.s32 $0x0, s20;
	[sflag:s22] =	ssyncset.done $0x0  }
0xa8: {  	[sflag:s22] =	ssyncadd.s32 s7;
	_ =	sdelay $0x1  }
0xa9: {  	s23 =	simm.s32 $0x1B8B  }
0xaa: {  	_ =	swait.ge [sflag:s23], $0x1  }
0xab: {  	[sflag:s23] =	ssyncset.done $0x0  }
0xac: {  	s25 =	simm.s32 $0x1B8E;
	s24 =	sld [smem:$0x3FFE];
	[sflag:s23] =	ssyncadd.s32 $0xFFFFFFFF  }
0xad: {  	s26 =	simm.s32 $execute0_lowered;
	[smem:$0x3FD2] =	sst s25  }
0xae: {  	s8 =	sshll.u32 s26, $0x1;
	_ =	strace $0x80000046;
	[dreg:$0x1] =	wrdreg $0xFFFFFFFF  }
0xaf: {  	s28 =	simm.s32 $_size_execute0_lowered;
	s6 =	sadd.s32 s6, s8;
	[dreg:$0x0] =	wrdreg $0x0  }
0xb0: {  	s8 =	sshll.u32 s28, $0x1;
	[dreg:$0x2] =	wrdreg s6  }
0xb1: {  	[dreg:$0x3] =	wrdreg s8  }
0xb2: {  	[dreg:$0x4] =	wrdreg $0xC0  }
0xb3: {  	_ =	task [dreg:s10], $0x5FFFF  }
0xb4: {  	[dreg:$0x1] =	wrdreg $0xFFFFFFFF  }
0xb5: {  	[dreg:$0x0] =	wrdreg $0x60  }
0xb6: {  	[dreg:$0x2] =	wrdreg s4  }
0xb7: {  	[dreg:$0x3] =	wrdreg s15  }
0xb8: {  	[dreg:$0x4] =	wrdreg s5  }
0xb9: {  	[dreg:$0x5] =	wrdreg s24  }
0xba: {  	[dreg:$0x6] =	wrdreg s16  }
0xbb: {  	[dreg:$0x7] =	wrdreg $0x9  }
0xbc: {  	_ =	task.clear_ibuf [dreg:s10], $0x8FFFF;
	_ =	strace $0x90000046  }
0xbd: {  	s29 =	simm.s32 $0x9;
	_ =	strace $0x80000048  }
0xbe: {  	_ =	swait.ge [sflag:s29], $0x1  }
0xbf: {  	[sflag:s29] =	ssyncadd.s32 $0xFFFFFFFF  }
0xc0: {  	_ =	strace $0x90000048  }
0xc1: {  	_ =	sfence  }
0xc2: {  	s30 =	sld [smem:$0x0];
	_ =	sdelay $0x2  }
0xc3: {  	s31 =	sshll.u32 s1, $0xD;
	s1 =	sshrl.u32 s1, $0x2  }
0xc4: {  	s3 =	sand.u32 $0x4000, s31;
	s1 =	sadd.s32 s1, s30  }
0xc5: {  	s0 =	sor.u32 s3, s0;
	s1 =	sshll.u32 s1, $0x11  }
0xc6: {  	s0 =	sor.u32 s1, s0  }
0xc7: {  	s0 =	sadd.s32 $0x8F2B, s0  }
0xc8: {  	[sflag:s0] =	ssyncadd.remote.s32 $0x1  }
0xc9: {  	_ =	sfence.sel $0xFFFF  }
0xca: {  	[dreg:$0x0] =	wrdreg $0xFFFFFFFF;
	(pc) =	sbr.abs _section_cstart, $3  }
0xcb: {  	[dreg:$0x1] =	wrdreg $0xFFFFFFFF  }
0xcc: {  	_ =	task.clear_ibuf [dreg:s10], $0x2FFFF;
	_ =	strace $0x9FFFFFFF  }
0xcd: {  	(tm) =	ssettm $0x7FFFFFFF  }
tec
execute0_lowered:
.L_overlay_start_1:
0x0: {  	(tag) =	ssettag $0x1  }
0x1: {  	s5 =	rddreg [dreg:$0x0]  }
0x2: {  	s1 =	rddreg [dreg:$0x1]  }
0x3: {  	s4 =	rddreg [dreg:$0x2]  }
0x4: {  	s6 =	rddreg [dreg:$0x3]  }
0x5: {  	s7 =	rddreg [dreg:$0x4];
	s3 =	srdreg.scid  }
0x6: {  	s0 =	rddreg [dreg:$0x5];
	s2 =	stileid.u32  }
0x7: {  	s12 =	simm.s32 $0x1080;
	s13 =	simm.s32 $0x1880;
	s14 =	simm.s32 $0x2080  }
0x8: {  	s15 =	simm.s32 $0x1;
	s16 =	simm.s32 $0x0;
	s8 =	sand.u32 $0x1, s3  }
0x9: {  	s3 =	simm.s32 $0x0;
	s9 =	sshll.u32 s2, $0x6;
	s10 =	sshll.u32 s8, $0x5  }
0xa: {  	[smem:$0x7FF] =	sst s3;
	s8 =	ssub.s32 $0x2, s8;
	s9 =	sor.u32 s10, s9  }
0xb: {  	_ =	strace $0x80000047;
	s31 =	sshrl.u32 s8, $0x1;
	s10 =	sshll.u32 s9, $0x4  }
0xc: {  	s11 =	sshrl.u32 s9, $0x3;
	s8 =	ssub.s32 s8, s31;
	s9 =	sshll.u32 s9, $0x5  }
0xd: {  	v2 =	vlaneseq.u32;
	s6 =	sadd.s32 s10, s6;
	s4 =	sadd.s32 s4, s11;
	s5 =	sadd.s32 s5, s9  }
0xe: {  	vm0 =	vmmov $0xffff;
	v1 =	vshrl.u32 v2, $0x3;
	s7 =	sadd.s32 s7, s9;
	s8 =	smax.u32 s8, $0x1;
	s9 =	simm.s32 $0x2  }
0xf: {  	v0 =	vand.u32 $0x7, v2;
	v2 =	vor.u32 $0x8, v2;
	v1 =	vmul.u32 $0x8, v1;
	s10 =	simm.s32 $0x80;
	s11 =	simm.s32 $0x880;
	s6 =	sadd.s32 $0xC00, s6  }
.LBB2_1:
0x10: {  	[tilespmem:s3], [sflag:$0x2] =	stream.linear.gather [hbm4b:s4+s3], $0x20, $0x38;
	[tilespmem:$0x5080] =	vst v63  }
0x11: {  	_ =	swait.ge [sflag:s9], $0x20  }
0x12: {  	[sflag:s9] =	ssyncset.done $0x0  }
0x13: {  	[sflag:s9] =	ssyncadd.s32 $0xFFFFFFE0  }
0x14: {  	v3 =	vld [tilespmem:$0x0];
	_ =	sdelay $0x4  }
0x15: {  	v4 =	vshll.u32 v3, $0x1  }
0x16: {  	v3 =	vand.u32 $0x7, v3;
	v4 =	vand.u32 $0xFFFFFFF0, v4  }
0x17: {  	v3 =	vor.u32 v3, v4  }
0x18: {  	v4 =	vperm.xlane v3, v0;
	_ =	sdelay $0x1  }
0x19: {  	v3 =	vperm.xlane v3, v2;
	v4 =	vadd.s32 v1, v4;
	_ =	sdelay $0x1  }
0x1a: {  	v3 =	vadd.s32 v1, v3;
	_ =	sdelay $0x2  }
0x1b: {  	[tilespmem:s10], [sflag:$0x1] =	stream.indirect_vreg.gather [hbm4b:s1+s3], $0x80, v4, vm0, $0xb8;
	[tilespmem:$0x5080] =	vst v63  }
0x1c: {  	_ = 	snop  }
0x1d: {  	[tilespmem:s11], [sflag:$0x1] =	stream.indirect_vreg.gather [hbm4b:s1+s3], $0x80, v3, vm0, $0xb8;
	[tilespmem:$0x5080] =	vst v63  }
0x1e: {  	v3 =	vld [tilespmem:$0x10];
	_ =	sdelay $0x4  }
0x1f: {  	v4 =	vshll.u32 v3, $0x1  }
0x20: {  	v3 =	vand.u32 $0x7, v3;
	v4 =	vand.u32 $0xFFFFFFF0, v4  }
0x21: {  	v3 =	vor.u32 v3, v4  }
0x22: {  	v4 =	vperm.xlane v3, v0;
	_ =	sdelay $0x1  }
0x23: {  	v3 =	vperm.xlane v3, v2;
	v4 =	vadd.s32 v1, v4;
	_ =	sdelay $0x1  }
0x24: {  	v3 =	vadd.s32 v1, v3;
	_ =	sdelay $0x2  }
0x25: {  	[tilespmem:s12], [sflag:$0x1] =	stream.indirect_vreg.gather [hbm4b:s1+s3], $0x80, v4, vm0, $0xb8;
	[tilespmem:$0x5080] =	vst v63  }
0x26: {  	_ = 	snop  }
0x27: {  	[tilespmem:s13], [sflag:$0x1] =	stream.indirect_vreg.gather [hbm4b:s1+s3], $0x80, v3, vm0, $0xb8;
	[tilespmem:$0x5080] =	vst v63  }
0x28: {  	_ = 	snop  }
0x29: {  	[tilespmem:s14], [sflag:$0x2] =	stream.linear.gather [hbm4b:s5+s3], $0x2000, $0x38;
	[tilespmem:$0x5080] =	vst v63  }
0x2a: {  	_ =	swait.ge [sflag:s9], $0x2000  }
0x2b: {  	[sflag:s9] =	ssyncset.done $0x0  }
0x2c: {  	s18 =	simm.s32 $0x4080;
	[sflag:s9] =	ssyncadd.s32 $0xFFFFE000  }
0x2d: {  	[tilespmem:s18], [sflag:$0x2] =	stream.linear.gather [hbm4b:s6+s3], $0x1000, $0x38;
	[tilespmem:$0x5080] =	vst v63  }
0x2e: {  	_ =	swait.ge [sflag:s9], $0x1000  }
0x2f: {  	[sflag:s9] =	ssyncset.done $0x0  }
0x30: {  	[sflag:s9] =	ssyncadd.s32 $0xFFFFF000  }
0x31: {  	_ =	swait.ge [sflag:s15], $0x2000  }
0x32: {  	s17 =	sand.u32 $0x1800, s3;
	s19 =	sand.u32 $0x380, s3;
	[sflag:s15] =	ssyncset.done $0x0  }
0x33: {  	s17 =	sor.u32 s19, s17;
	[sflag:s15] =	ssyncadd.s32 $0xFFFFE000  }
0x34: {  	v3 =	vld [tilespmem:s17+$0x2080]  }
0x35: {  	v6 =	vld [tilespmem:s17+$0x2090]  }
0x36: {  	v4 =	vld [tilespmem:s17+$0x20A0]  }
0x37: {  	v7 =	vld [tilespmem:s17+$0x20B0]  }
0x38: {  	v8 =	vld [tilespmem:s17+$0x20C0]  }
0x39: {  	v9 =	vld [tilespmem:s17+$0x20D0]  }
0x3a: {  	v10 =	vld [tilespmem:s17+$0x20E0]  }
0x3b: {  	v16 =	vld [tilespmem:s17+$0x20F0]  }
0x3c: {  	v15 =	vld [tilespmem:s17+$0x2480]  }
0x3d: {  	v5 =	vld [tilespmem:s18+$0x0]  }
0x3e: {  	v14 =	vld [tilespmem:s17+$0x2490]  }
0x3f: {  	v13 =	vld [tilespmem:s17+$0x24A0]  }
0x40: {  	v11 =	vld [tilespmem:s17+$0x24B0]  }
0x41: {  	v12 =	vld [tilespmem:s17+$0x24C0]  }
0x42: {  	v17 =	vld [tilespmem:s17+$0x24D0]  }
0x43: {  	v18 =	vld [tilespmem:s17+$0x24E0]  }
0x44: {  	v19 =	vld [tilespmem:s17+$0x24F0]  }
0x45: {  	v20 =	vld [tilespmem:s17+$0x4F0]  }
0x46: {  	v21 =	vld [tilespmem:s17+$0x4E0]  }
0x47: {  	v22 =	vld [tilespmem:s17+$0x4D0]  }
0x48: {  	v23 =	vld [tilespmem:s17+$0x4C0]  }
0x49: {  	v24 =	vld [tilespmem:s17+$0x4B0]  }
0x4a: {  	v25 =	vld [tilespmem:s17+$0x4A0];
	v19 =	vsub.f32 v20, v19  }
0x4b: {  	v20 =	vld [tilespmem:s17+$0x490];
	v18 =	vsub.f32 v21, v18  }
0x4c: {  	v61 =	vld [tilespmem:s17+$0x480];
	v17 =	vsub.f32 v22, v17;
	v19 =	vmul.f32 v19, v5  }
0x4d: {  	v62 =	vld [tilespmem:s17+$0xF0];
	v23 =	vsub.f32 v23, v12;
	v18 =	vmul.f32 v18, v5  }
0x4e: {  	v12 =	vld [tilespmem:s17+$0xE0];
	v24 =	vsub.f32 v24, v11;
	v17 =	vmul.f32 v17, v5;
	[tilespmem:s17+$0x4F0] =	vst v19  }
0x4f: {  	v11 =	vld [tilespmem:s17+$0xD0];
	v63 =	vsub.f32 v25, v13;
	v19 =	vmul.f32 v23, v5;
	[tilespmem:s17+$0x4E0] =	vst v18  }
0x50: {  	v13 =	vld [tilespmem:s17+$0xC0];
	v24 =	vmul.f32 v24, v5;
	[tilespmem:s17+$0x4D0] =	vst v17;
	v20 =	vsub.f32 v20, v14  }
0x51: {  	v18 =	vsub.f32 v61, v15;
	v14 =	vld [tilespmem:s17+$0xB0];
	[tilespmem:s17+$0x4C0] =	vst v19;
	v19 =	vmul.f32 v63, v5  }
0x52: {  	s20 =	simm.s32 $0x100;
	s19 =	simm.s32 $0x80;
	v16 =	vsub.f32 v62, v16;
	v15 =	vld [tilespmem:s17+$0xA0];
	[tilespmem:s17+$0x4B0] =	vst v24;
	v17 =	vmul.f32 v20, v5  }
.LBB2_2:
0x53: {  	s21 =	sand.u32 $0x1800, s20;
	s22 =	sand.u32 $0x380, s19;
	p0 =	sne.s32 s20, $0x1F00;
	v20 =	vld [tilespmem:s17+$0x90];
	v10 =	vsub.f32 v12, v10;
	v12 =	vmul.f32 v18, v5;
	[tilespmem:s17+$0x4A0] =	vst v19  }
0x54: {  	s21 =	sor.u32 s22, s21;
	v18 =	vld [tilespmem:s17+$0x80];
	v9 =	vsub.f32 v11, v9;
	v11 =	vmul.f32 v16, v5;
	[tilespmem:s17+$0x490] =	vst v17  }
0x55: {  	v16 =	vld [tilespmem:s21+$0x2080];
	v8 =	vsub.f32 v13, v8;
	v10 =	vmul.f32 v10, v5;
	[tilespmem:s17+$0x480] =	vst v12  }
0x56: {  	v12 =	vld [tilespmem:s21+$0x2090];
	v13 =	vsub.f32 v14, v7;
	v9 =	vmul.f32 v9, v5;
	[tilespmem:s17+$0xF0] =	vst v11  }
0x57: {  	v11 =	vsub.f32 v15, v4;
	v4 =	vld [tilespmem:s21+$0x20A0];
	v14 =	vmul.f32 v8, v5;
	[tilespmem:s17+$0xE0] =	vst v10  }
0x58: {  	v7 =	vld [tilespmem:s21+$0x20B0];
	v15 =	vsub.f32 v20, v6;
	v10 =	vmul.f32 v13, v5;
	[tilespmem:s17+$0xD0] =	vst v9  }
0x59: {  	v8 =	vld [tilespmem:s21+$0x20C0];
	v13 =	vsub.f32 v18, v3;
	v11 =	vmul.f32 v11, v5;
	[tilespmem:s17+$0xC0] =	vst v14  }
0x5a: {  	v9 =	vld [tilespmem:s21+$0x20D0];
	v14 =	vmul.f32 v15, v5;
	[tilespmem:s17+$0xB0] =	vst v10;
	v3 =	vmov v16  }
0x5b: {  	v10 =	vld [tilespmem:s21+$0x20E0];
	v5 =	vmul.f32 v13, v5;
	[tilespmem:s17+$0xA0] =	vst v11;
	v6 =	vmov v12  }
0x5c: {  	v16 =	vld [tilespmem:s21+$0x20F0];
	[tilespmem:s17+$0x90] =	vst v14  }
0x5d: {  	s18 =	sadd.s32 $0x80, s18;
	v15 =	vld [tilespmem:s21+$0x2480];
	[tilespmem:s17+$0x80] =	vst v5;
	s17 =	smov.u32 s21  }
0x5e: {  	v5 =	vld [tilespmem:s18+$0x0]  }
0x5f: {  	v14 =	vld [tilespmem:s17+$0x2490]  }
0x60: {  	v13 =	vld [tilespmem:s17+$0x24A0]  }
0x61: {  	v11 =	vld [tilespmem:s17+$0x24B0]  }
0x62: {  	v12 =	vld [tilespmem:s17+$0x24C0]  }
0x63: {  	v17 =	vld [tilespmem:s17+$0x24D0]  }
0x64: {  	v18 =	vld [tilespmem:s17+$0x24E0]  }
0x65: {  	v19 =	vld [tilespmem:s17+$0x24F0]  }
0x66: {  	v20 =	vld [tilespmem:s17+$0x4F0]  }
0x67: {  	v21 =	vld [tilespmem:s17+$0x4E0]  }
0x68: {  	v22 =	vld [tilespmem:s17+$0x4D0]  }
0x69: {  	v23 =	vld [tilespmem:s17+$0x4C0]  }
0x6a: {  	v24 =	vld [tilespmem:s17+$0x4B0]  }
0x6b: {  	v25 =	vld [tilespmem:s17+$0x4A0];
	v19 =	vsub.f32 v20, v19  }
0x6c: {  	v20 =	vld [tilespmem:s17+$0x490];
	v18 =	vsub.f32 v21, v18  }
0x6d: {  	v21 =	vld [tilespmem:s17+$0x480];
	v17 =	vsub.f32 v22, v17;
	v19 =	vmul.f32 v19, v5  }
0x6e: {  	v22 =	vld [tilespmem:s17+$0xF0];
	v23 =	vsub.f32 v23, v12;
	v18 =	vmul.f32 v18, v5  }
.Ltmp0:
0x6f: {  	v12 =	vld [tilespmem:s17+$0xE0];
	v24 =	vsub.f32 v24, v11;
	v17 =	vmul.f32 v17, v5;
	[tilespmem:s17+$0x4F0] =	vst v19;
	(pc) =	sbr.rel @p0 .LBB2_2-.Ltmp0, $4  }
0x70: {  	v11 =	vld [tilespmem:s17+$0xD0];
	v19 =	vsub.f32 v25, v13;
	v23 =	vmul.f32 v23, v5;
	[tilespmem:s17+$0x4E0] =	vst v18  }
0x71: {  	v13 =	vld [tilespmem:s17+$0xC0];
	v20 =	vsub.f32 v20, v14;
	v24 =	vmul.f32 v24, v5;
	[tilespmem:s17+$0x4D0] =	vst v17  }
0x72: {  	v14 =	vld [tilespmem:s17+$0xB0];
	v18 =	vsub.f32 v21, v15;
	v19 =	vmul.f32 v19, v5;
	[tilespmem:s17+$0x4C0] =	vst v23  }
0x73: {  	s19 =	sadd.s32 $0x80, s19;
	s20 =	sadd.s32 $0x100, s20;
	v15 =	vld [tilespmem:s17+$0xA0];
	v16 =	vsub.f32 v22, v16;
	v17 =	vmul.f32 v20, v5;
	[tilespmem:s17+$0x4B0] =	vst v24  }
0x74: {  	v20 =	vld [tilespmem:s17+$0x90];
	v10 =	vsub.f32 v12, v10;
	v61 =	vmul.f32 v18, v5;
	[tilespmem:s17+$0x4A0] =	vst v19  }
0x75: {  	v62 =	vld [tilespmem:s17+$0x80];
	v9 =	vsub.f32 v11, v9;
	v63 =	vmul.f32 v16, v5;
	[tilespmem:s17+$0x490] =	vst v17  }
0x76: {  	v8 =	vsub.f32 v13, v8;
	v10 =	vmul.f32 v10, v5;
	[tilespmem:s17+$0x480] =	vst v61  }
0x77: {  	v7 =	vsub.f32 v14, v7;
	v9 =	vmul.f32 v9, v5;
	[tilespmem:s17+$0xF0] =	vst v63  }
0x78: {  	v4 =	vsub.f32 v15, v4;
	v8 =	vmul.f32 v8, v5;
	[tilespmem:s17+$0xE0] =	vst v10  }
0x79: {  	v6 =	vsub.f32 v20, v6;
	v7 =	vmul.f32 v7, v5;
	[tilespmem:s17+$0xD0] =	vst v9  }
0x7a: {  	v3 =	vsub.f32 v62, v3;
	v4 =	vmul.f32 v4, v5;
	[tilespmem:s17+$0xC0] =	vst v8  }
0x7b: {  	v6 =	vmul.f32 v6, v5;
	[tilespmem:s17+$0xB0] =	vst v7  }
0x7c: {  	s16 =	sadd.s32 $0x1, s16;
	v3 =	vmul.f32 v3, v5;
	[tilespmem:s17+$0xA0] =	vst v4  }
0x7d: {  	p0 =	sne.s32 s16, s8;
	[tilespmem:s17+$0x90] =	vst v6  }
.Ltmp1:
0x7e: {  	[tilespmem:s17+$0x80] =	vst v3;
	(pc) =	sbr.rel @p0 .LBB2_1-.Ltmp1, $4  }
0x7f: {  	[hbm4b:s7+s3] =	stream.linear.scatter [tilespmem:s10], [sflag:$0x2], $0x2000, $0x38;
	[tilespmem:$0x5080] =	vst v63  }
0x80: {  	_ =	swait.ge [sflag:s9], $0x2000  }
0x81: {  	[sflag:s9] =	ssyncset.done $0x0  }
0x82: {  	[sflag:s9] =	ssyncadd.s32 $0xFFFFE000  }
0x83: {  	_ =	sfence.sel $0x180000  }
0x84: {  	[bflag:$0x0] =	sbarrier.arrive $0xFFFF  }
0x85: {  	p0 =	sne.s32 s2, $0x0;
	_ =	strace $0x90000047  }
0x86: {  	s0 =	sadd.s32 @!p0 $0x100000, s0;
	[bflag:$0x2] =	sbarrier.arrive $0xFFFF  }
0x87: {  	[sflag:s0] =	ssyncadd.tile.s32 @!p0 $0x1;
	_ =	shalt  }
.Lfunc_end2:
_tile_overlayer_lowered:
.L_overlay_start_2:
0x88: {  	(tag) =	ssettag $0x2  }
0x89: {  	s0 =	rddreg [dreg:$0x0];
	s2 =	stileid.u32  }
0x8a: {  	s1 =	rddreg [dreg:$0x1];
	p0 =	sne.s32 s2, $0x0  }
0x8b: {  	s3 =	rddreg [dreg:$0x2];
	[bflag:$0x3] =	sbarrier.arrive $0xFFFF;
	s2 =	simm.s32 @!p0 $0x1C02  }
0x8c: {  	[timem:s3], [sflag:s2] =	dma.local @!p0 [hbm:s0], s1  }
0x8d: {  	s0 =	simm.s32 @!p0 $0x2  }
0x8e: {  	_ =	swait.ge @!p0 [sflag:s0], s1  }
0x8f: {  	s1 =	ssub.s32 @!p0 $0x0, s1;
	[sflag:s0] =	ssyncset.done @!p0 $0x0  }
0x90: {  	[sflag:s0] =	ssyncadd.s32 @!p0 s1  }
0x91: {  	[bflag:$0x3] =	sbarrier.arrive $0xFFFF  }
0x92: {  	_ =	shalt  }

</sc_bundles>
